<compile_context>
chip_gen: v7x
topology: tpu7x:2x2x1
jax: 0.10.2.dev20260603
libtpu: 0.0.44.dev20260713+nightly
codegen_flags: <defaults>
</compile_context>

<pallas_src>
import functools

import jax
import jax.numpy as jnp
from jax import lax
from jax.experimental import pallas as pl
from jax.experimental.pallas import tpu as pltpu
from jax.experimental.pallas import tpu_sc as plsc

_PD = jax.lax.Precision.DEFAULT
_PH = jax.lax.Precision.HIGHEST
D_ = 768
H_ = 12
DK_ = 64
E_ = 8
DFF_ = 3072
S_ = 2048
CAP_ = 320
DOUT_ = 768

BLK = 256
NBLK = S_ // BLK
DFFB = 768
NDFF = DFF_ // DFFB
KC = 256


def _emb_gather(ids, emb):
    info = plsc.get_sparse_core_info()
    nw = info.num_cores * info.num_subcores
    bpw = S_ // nw
    mesh = plsc.VectorSubcoreMesh(core_axis_name="c", subcore_axis_name="s")

    @functools.partial(
        pl.kernel,
        mesh=mesh,
        out_type=jax.ShapeDtypeStruct((S_, D_), jnp.float32),
        scratch_types=[
            pltpu.VMEM((bpw,), jnp.int32),
            pltpu.VMEM((bpw, D_), jnp.float32),
            pltpu.SemaphoreType.DMA,
        ],
    )
    def gather_kernel(ids_hbm, emb_hbm, out_hbm, idx_v, rows_v, sem):
        wid = lax.axis_index("s") * info.num_cores + lax.axis_index("c")
        base = wid * bpw
        pltpu.sync_copy(ids_hbm.at[pl.ds(base, bpw)], idx_v)
        pltpu.async_copy(emb_hbm.at[idx_v], rows_v, sem).wait()
        pltpu.sync_copy(rows_v, out_hbm.at[pl.ds(base, bpw)])

    return gather_kernel(ids, emb)


def _lane_sum(x):
    n = x.shape[-1] // 128
    acc = x[:, 0:128]
    for i in range(1, n):
        acc = acc + x[:, i * 128:(i + 1) * 128]
    for w in (64, 32, 16, 8, 4, 2, 1):
        acc = acc[:, :w] + acc[:, w:2 * w]
    return acc


def _ln_xla(x, s, b):
    m = jnp.mean(x, axis=-1, keepdims=True)
    v = jnp.mean((x - m) ** 2, axis=-1, keepdims=True)
    return (x - m) / jnp.sqrt(v + 1e-5) * s + b


def _kdot(a, b, precision=_PD):
    k = a.shape[-1]
    if k <= KC:
        return jnp.dot(a, b, preferred_element_type=jnp.float32, precision=precision)
    acc = jnp.dot(a[:, :KC], b[:KC], preferred_element_type=jnp.float32,
                  precision=precision)
    for s0 in range(KC, k, KC):
        acc = acc + jnp.dot(a[:, s0:s0 + KC], b[s0:s0 + KC],
                            preferred_element_type=jnp.float32, precision=precision)
    return acc


def _sm_sum(p):
    a = p.reshape(p.shape[0], 16, 128)
    for w in (64, 32, 16, 8, 4, 2, 1):
        a = a[:, :, :w] + a[:, :, w:2 * w]
    for w in (8, 4, 2, 1):
        a = a[:, :w, :] + a[:, w:2 * w, :]
    return a.reshape(p.shape[0], 1)


def _mm_body(x_ref, w_ref, bias_ref, o_ref):
    o_ref[...] = _kdot(x_ref[...], w_ref[...]) + bias_ref[...]


def _matmul_bias(x, w, bias):
    f = w.shape[1]
    return pl.pallas_call(
        _mm_body,
        grid=(NBLK,),
        in_specs=[
            pl.BlockSpec((BLK, D_), lambda i: (i, 0)),
            pl.BlockSpec((D_, f), lambda i: (0, 0)),
            pl.BlockSpec((1, f), lambda i: (0, 0)),
        ],
        out_specs=pl.BlockSpec((BLK, f), lambda i: (i, 0)),
        out_shape=jax.ShapeDtypeStruct((S_, f), jnp.float32),
    )(x, w, bias.reshape(1, f))


def _attn_body(q_ref, k_ref, v_ref, o_ref):
    s = lax.dot_general(q_ref[...], k_ref[...], (((1,), (1,)), ((), ())),
                        preferred_element_type=jnp.float32,
                        precision=_PD) * 0.125
    m = jnp.max(s, axis=-1, keepdims=True)
    p = jnp.exp(s - m)
    a = p / _sm_sum(p)
    o_ref[...] = jnp.dot(a, v_ref[...], preferred_element_type=jnp.float32,
                         precision=_PD)


def _attention(q, k, v):
    return pl.pallas_call(
        _attn_body,
        grid=(H_, NBLK),
        in_specs=[
            pl.BlockSpec((BLK, DK_), lambda h, i: (h * NBLK + i, 0)),
            pl.BlockSpec((S_, DK_), lambda h, i: (h, 0)),
            pl.BlockSpec((S_, DK_), lambda h, i: (h, 0)),
        ],
        out_specs=pl.BlockSpec((BLK, DK_), lambda h, i: (h * NBLK + i, 0)),
        out_shape=jax.ShapeDtypeStruct((H_ * S_, DK_), jnp.float32),
    )(q, k, v)


def _mm_res_body(x_ref, w_ref, bias_ref, r_ref, o_ref):
    o_ref[...] = _kdot(x_ref[...], w_ref[...]) + bias_ref[...] + r_ref[...]


def _mm_bias_res(x, w, bias, res):
    return pl.pallas_call(
        _mm_res_body,
        grid=(NBLK,),
        in_specs=[
            pl.BlockSpec((BLK, D_), lambda i: (i, 0)),
            pl.BlockSpec((D_, D_), lambda i: (0, 0)),
            pl.BlockSpec((1, D_), lambda i: (0, 0)),
            pl.BlockSpec((BLK, D_), lambda i: (i, 0)),
        ],
        out_specs=pl.BlockSpec((BLK, D_), lambda i: (i, 0)),
        out_shape=jax.ShapeDtypeStruct((S_, D_), jnp.float32),
    )(x, w, bias.reshape(1, D_), res)


def _route_body(z_ref, rw_ref, rb_ref,
                d_ref, keep_ref, rpm_ref, carry_ref):
    i = pl.program_id(0)

    @pl.when(i == 0)
    def _():
        carry_ref[...] = jnp.zeros_like(carry_ref)

    z = z_ref[...]
    logits = _kdot(z, rw_ref[...]) + rb_ref[...]
    mx = jnp.max(logits, axis=-1, keepdims=True)
    p = jnp.exp(logits - mx)
    p4 = p[:, :4] + p[:, 4:]
    p2 = p4[:, :2] + p4[:, 2:]
    probs = p / (p2[:, :1] + p2[:, 1:])
    rpm = jnp.max(probs, axis=-1, keepdims=True)
    eidx = lax.broadcasted_iota(jnp.int32, (BLK, E_), 1)
    routes = jnp.min(jnp.where(probs == rpm, eidx, E_), axis=-1, keepdims=True)
    oh = (eidx == routes).astype(jnp.float32)
    tri = (lax.broadcasted_iota(jnp.int32, (BLK, BLK), 0)
           >= lax.broadcasted_iota(jnp.int32, (BLK, BLK), 1)).astype(jnp.float32)
    incl = jnp.dot(tri, oh, preferred_element_type=jnp.float32,
                   precision=_PH) + carry_ref[...]
    pos = jnp.sum(incl * oh, axis=-1, keepdims=True) - 1.0
    posi = pos.astype(jnp.int32)
    keep = posi < CAP_
    slot = jnp.clip(posi, 0, CAP_ - 1)
    d_ref[...] = routes * CAP_ + slot
    keep_ref[...] = keep.astype(jnp.float32)
    rpm_ref[...] = rpm
    carry_ref[...] = carry_ref[...] + jnp.sum(oh, axis=0, keepdims=True)


def _route(z, rw, rb):
    return pl.pallas_call(
        _route_body,
        grid=(NBLK,),
        in_specs=[
            pl.BlockSpec((BLK, D_), lambda i: (i, 0)),
            pl.BlockSpec((D_, E_), lambda i: (0, 0)),
            pl.BlockSpec((1, E_), lambda i: (0, 0)),
        ],
        out_specs=[
            pl.BlockSpec((BLK, 1), lambda i: (i, 0)),
            pl.BlockSpec((BLK, 1), lambda i: (i, 0)),
            pl.BlockSpec((BLK, 1), lambda i: (i, 0)),
        ],
        out_shape=[
            jax.ShapeDtypeStruct((S_, 1), jnp.int32),
            jax.ShapeDtypeStruct((S_, 1), jnp.float32),
            jax.ShapeDtypeStruct((S_, 1), jnp.float32),
        ],
        scratch_shapes=[pltpu.VMEM((1, E_), jnp.float32)],
    )(z, rw, rb.reshape(1, E_))


def _expert_body(z_ref, d_ref, keep_ref, w1_ref, b1_ref, w2_ref, b2_ref,
                 o_ref, buf_ref, acc_ref):
    e = pl.program_id(0)
    j = pl.program_id(1)

    @pl.when(j == 0)
    def _():
        cidx = lax.broadcasted_iota(jnp.int32, (S_, CAP_), 1)
        sel = (d_ref[...] == e * CAP_ + cidx).astype(jnp.float32) * keep_ref[...]
        buf_ref[...] = lax.dot_general(sel, z_ref[...], (((0,), (0,)), ((), ())),
                                       preferred_element_type=jnp.float32,
                                       precision=_PH)

    h = jnp.maximum(_kdot(buf_ref[...], w1_ref[0]) + b1_ref[0], 0.0)
    part = _kdot(h, w2_ref[0])

    @pl.when(j == 0)
    def _():
        acc_ref[...] = part

    @pl.when(j > 0)
    def _():
        acc_ref[...] = acc_ref[...] + part

    @pl.when(j == NDFF - 1)
    def _():
        o_ref[0] = acc_ref[...] + b2_ref[0]


def _experts(z, d_idx, keepf, w1, b1, w2, b2):
    return pl.pallas_call(
        _expert_body,
        grid=(E_, NDFF),
        in_specs=[
            pl.BlockSpec((S_, D_), lambda e, j: (0, 0)),
            pl.BlockSpec((S_, 1), lambda e, j: (0, 0)),
            pl.BlockSpec((S_, 1), lambda e, j: (0, 0)),
            pl.BlockSpec((1, D_, DFFB), lambda e, j: (e, 0, j)),
            pl.BlockSpec((1, 1, DFFB), lambda e, j: (e, 0, j)),
            pl.BlockSpec((1, DFFB, D_), lambda e, j: (e, j, 0)),
            pl.BlockSpec((1, 1, D_), lambda e, j: (e, 0, 0)),
        ],
        out_specs=pl.BlockSpec((1, CAP_, D_), lambda e, j: (e, 0, 0)),
        out_shape=jax.ShapeDtypeStruct((E_, CAP_, D_), jnp.float32),
        scratch_shapes=[
            pltpu.VMEM((CAP_, D_), jnp.float32),
            pltpu.VMEM((CAP_, D_), jnp.float32),
        ],
    )(z, d_idx, keepf, w1, b1.reshape(E_, 1, DFF_), w2, b2.reshape(E_, 1, D_))


def _combine_body(x_ref, z_ref, d_ref, keep_ref, rpm_ref, ob_ref, o_ref):
    didx = lax.broadcasted_iota(jnp.int32, (BLK, E_ * CAP_), 1)
    oneh = (d_ref[...] == didx).astype(jnp.float32) * keep_ref[...]
    eo = jnp.dot(oneh, ob_ref[...], preferred_element_type=jnp.float32,
                 precision=_PH)
    keep = keep_ref[...] > 0.5
    o_ref[...] = x_ref[...] + jnp.where(keep, eo, z_ref[...]) * rpm_ref[...]


def _combine(x, z, d_idx, keepf, rpm, ob):
    return pl.pallas_call(
        _combine_body,
        grid=(NBLK,),
        in_specs=[
            pl.BlockSpec((BLK, D_), lambda i: (i, 0)),
            pl.BlockSpec((BLK, D_), lambda i: (i, 0)),
            pl.BlockSpec((BLK, 1), lambda i: (i, 0)),
            pl.BlockSpec((BLK, 1), lambda i: (i, 0)),
            pl.BlockSpec((BLK, 1), lambda i: (i, 0)),
            pl.BlockSpec((E_ * CAP_, D_), lambda i: (0, 0)),
        ],
        out_specs=pl.BlockSpec((BLK, D_), lambda i: (i, 0)),
        out_shape=jax.ShapeDtypeStruct((S_, D_), jnp.float32),
    )(x, z, d_idx, keepf, rpm, ob)


def kernel(input_ids, emb, ln1_s, ln1_b, wq, bq, wk, bk, wv, bv, wo, bo,
           ln2_s, ln2_b, router_w, router_b, w1, b1, w2, b2,
           lnf_s, lnf_b, wout, bout):
    ids = input_ids.reshape(S_).astype(jnp.int32)
    x = _emb_gather(ids, emb)
    for l in range(2):
        z1 = _ln_xla(x, ln1_s[l], ln1_b[l])
        qh, kh, vh = [
            (z1 @ w[l] + b[l])
            .reshape(S_, H_, DK_).transpose(1, 0, 2).reshape(H_ * S_, DK_)
            for w, b in ((wq, bq), (wk, bk), (wv, bv))
        ]
        oh_ = _attention(qh, kh, vh)
        attn = oh_.reshape(H_, S_, DK_).transpose(1, 0, 2).reshape(S_, D_)
        x = x + (attn @ wo[l] + bo[l])
        z = _ln_xla(x, ln2_s[l], ln2_b[l])
        d_idx, keepf, rpm = _route(z, router_w[l], router_b[l])
        ob = _experts(z, d_idx, keepf, w1[l], b1[l], w2[l], b2[l])
        x = _combine(x, z, d_idx, keepf, rpm, ob.reshape(E_ * CAP_, D_))
    out = _matmul_bias(_ln_xla(x, lnf_s, lnf_b), wout, bout)
    return out.reshape(S_, 1, DOUT_)

# --- scband reference (transcript-rebuilt; emitter-appended) ---
"""Pipeline reference for scband-la-bse-switch-9225589752221 (READ-ONLY COPY).

The authoritative reference and input builder live on the scoring server;
editing this copy changes nothing except your own understanding.
"""

import jax, jax.numpy as jnp
import numpy as np

L = 2; D = 768; H = 12; DK = D // H; E = 8; DFF = 3072; V = 100000; B = 1; S = 2048; CAPF = 1.25; DOUT = 768


def _ln(x, s, b):
    m = jnp.mean(x, axis=-1, keepdims=True)
    v = jnp.mean((x - m) ** 2, axis=-1, keepdims=True)
    return (x - m) / jnp.sqrt(v + 1e-5) * s + b


def _attn(z, wq, bq, wk, bk, wv, bv, wo, bo):
    S_, B_, _ = z.shape
    q = (z @ wq + bq).reshape(S_, B_, H, DK)
    k = (z @ wk + bk).reshape(S_, B_, H, DK)
    v = (z @ wv + bv).reshape(S_, B_, H, DK)
    scores = jnp.einsum('ibhd,jbhd->ijbh', q, k) / jnp.sqrt(DK)
    a = jax.nn.softmax(scores, axis=1)
    o = jnp.einsum('ijbh,jbhd->ibhd', a, v).reshape(S_, B_, D)
    return o @ wo + bo


def _switch_ffn(z, rw, rb, w1, b1, w2, b2):
    # labml-style Switch top-1 routing with capacity and token dropping
    S_, B_, _ = z.shape
    flat = z.reshape(S_ * B_, D)
    n = flat.shape[0]
    logits = flat @ rw + rb
    probs = jax.nn.softmax(logits, axis=-1)
    rpm = jnp.max(probs, axis=-1)
    routes = jnp.argmax(probs, axis=-1)
    cap = int(CAPF * n / E)
    oh = jax.nn.one_hot(routes, E, dtype=flat.dtype)
    pos = jnp.sum(jnp.cumsum(oh, axis=0) * oh, axis=1) - 1.0
    posi = pos.astype(jnp.int32)
    keep = posi < cap
    slot = jnp.clip(posi, 0, cap - 1)
    buf = jnp.zeros((E, cap, D), flat.dtype).at[routes, slot].add(flat * keep[:, None].astype(flat.dtype))
    h = jax.nn.relu(jnp.einsum('ecd,edf->ecf', buf, w1) + b1[:, None, :])
    ob = jnp.einsum('ecf,efd->ecd', h, w2) + b2[:, None, :]
    eo = ob[routes, slot]
    # dropped tokens pass through unchanged (pre-scale), all scaled by route_prob_max (is_scale_prob=True)
    out = jnp.where(keep[:, None], eo, flat) * rpm[:, None]
    return out.reshape(S_, B_, D)


def _forward(input_ids, emb, ln1_s, ln1_b, wq, bq, wk, bk, wv, bv, wo, bo, ln2_s, ln2_b, router_w, router_b, w1, b1, w2, b2, lnf_s, lnf_b, wout, bout):
    e = emb[input_ids]  # [B, S, D]
    # original torch code uses torch.reshape (B,S,D)->(S,B,D); identical to transpose when B == 1
    x = jnp.reshape(e, (S, B, D))
    for l in range(L):
        z = _ln(x, ln1_s[l], ln1_b[l])
        x = x + _attn(z, wq[l], bq[l], wk[l], bk[l], wv[l], bv[l], wo[l], bo[l])
        z = _ln(x, ln2_s[l], ln2_b[l])
        x = x + _switch_ffn(z, router_w[l], router_b[l], w1[l], b1[l], w2[l], b2[l])
    x = _ln(x, lnf_s, lnf_b)
    return x @ wout + bout


def setup_inputs(seed: int = 0) -> dict:
    key = jax.random.key(seed)
    ks = jax.random.split(key, 16)
    s = 0.02
    return {
        'input_ids': jax.random.randint(ks[0], (B, S), 0, V),
        'emb': jax.random.normal(ks[1], (V, D), jnp.float32) * s,
        'ln1_s': jnp.ones((L, D), jnp.float32),
        'ln1_b': jnp.zeros((L, D), jnp.float32),
        'wq': jax.random.normal(ks[2], (L, D, D), jnp.float32) * s,
        'bq': jnp.zeros((L, D), jnp.float32),
        'wk': jax.random.normal(ks[3], (L, D, D), jnp.float32) * s,
        'bk': jnp.zeros((L, D), jnp.float32),
        'wv': jax.random.normal(ks[4], (L, D, D), jnp.float32) * s,
        'bv': jnp.zeros((L, D), jnp.float32),
        'wo': jax.random.normal(ks[5], (L, D, D), jnp.float32) * s,
        'bo': jnp.zeros((L, D), jnp.float32),
        'ln2_s': jnp.ones((L, D), jnp.float32),
        'ln2_b': jnp.zeros((L, D), jnp.float32),
        'router_w': jax.random.normal(ks[6], (L, D, E), jnp.float32) * s,
        'router_b': jnp.zeros((L, E), jnp.float32),
        'w1': jax.random.normal(ks[7], (L, E, D, DFF), jnp.float32) * s,
        'b1': jnp.zeros((L, E, DFF), jnp.float32),
        'w2': jax.random.normal(ks[8], (L, E, DFF, D), jnp.float32) * s,
        'b2': jnp.zeros((L, E, D), jnp.float32),
        'lnf_s': jnp.ones((D,), jnp.float32),
        'lnf_b': jnp.zeros((D,), jnp.float32),
        'wout': jax.random.normal(ks[9], (D, DOUT), jnp.float32) * s,
        'bout': jnp.zeros((DOUT,), jnp.float32),
    }


def reference(input_ids, emb, ln1_s, ln1_b, wq, bq, wk, bk, wv, bv, wo, bo, ln2_s, ln2_b, router_w, router_b, w1, b1, w2, b2, lnf_s, lnf_b, wout, bout):
    return _forward(input_ids, emb, ln1_s, ln1_b, wq, bq, wk, bk, wv, bv, wo, bo, ln2_s, ln2_b, router_w, router_b, w1, b1, w2, b2, lnf_s, lnf_b, wout, bout)

if __name__ == "__main__":
    import jax
    _d = setup_inputs()
    print(jax.jit(kernel)(*tuple(_d.values())))

</pallas_src>

<mosaic_0001>
#map = affine_map<(d0, d1) -> (0)>
#map1 = affine_map<(d0, d1) -> (0, 0)>
module attributes {stable_mosaic.version = 14 : i64} {
  func.func @gather_kernel(%arg0: i32, %arg1: i32, %arg2: memref<2048xi32, #tpu.memory_space<hbm>>, %arg3: memref<100000x768xf32, #tpu.memory_space<hbm>>, %arg4: memref<2048x768xf32, #tpu.memory_space<hbm>>, %arg5: memref<64xi32, #tpu.memory_space<vmem>>, %arg6: memref<64x768xf32, #tpu.memory_space<vmem>>, %arg7: memref<!tpu.dma_semaphore, #tpu.memory_space<semaphore_mem>>) attributes {dimension_semantics = [#tpu.dimension_semantics<core_parallel>, #tpu.dimension_semantics<subcore_parallel>], iteration_bounds = array<i64: 2, 16>, scalar_prefetch = 0 : i64, scratch_operands = 3 : i64, tpu.core_type = #tpu.core_type<sc_vector_subcore>, window_params = [{transform_indices = #map}, {transform_indices = #map1}, {transform_indices = #map1}]} {
    %mul3A = arith.constant 2 : i32
    %mul3A_0 = arith.muli %arg1, %mul3A : i32
    %add3A = arith.addi %mul3A_0, %arg0 : i32
    %mul3A_1 = arith.constant 64 : i32
    %mul3A_2 = arith.muli %add3A, %mul3A_1 : i32
    "tpu.region"() ({
      %run_scoped3A = tpu.sem_alloc : memref<!tpu.dma_semaphore, #tpu.memory_space<semaphore_mem>>
      %dma_start3A_7 = tpu.memref_slice %arg2[%mul3A_2] : memref<2048xi32, #tpu.memory_space<hbm>> -> memref<64xi32, #tpu.memory_space<hbm>>
      %dma_start3A_8 = tpu.memref_slice %arg2[%mul3A_2] : memref<2048xi32, #tpu.memory_space<hbm>> -> memref<64xi32, #tpu.memory_space<hbm>>
      tpu.enqueue_dma source(%dma_start3A_8 : memref<64xi32, #tpu.memory_space<hbm>>) target(%arg5 : memref<64xi32, #tpu.memory_space<vmem>>) target_semaphore(%run_scoped3A : memref<!tpu.dma_semaphore, #tpu.memory_space<semaphore_mem>>)
      %dma_wait3A_9 = tpu.memref_slice %arg2[%mul3A_2] : memref<2048xi32, #tpu.memory_space<hbm>> -> memref<64xi32, #tpu.memory_space<hbm>>
      %dma_wait3A_10 = tpu.memref_slice %arg2[%mul3A_2] : memref<2048xi32, #tpu.memory_space<hbm>> -> memref<64xi32, #tpu.memory_space<hbm>>
      tpu.wait_dma2 semaphore(%run_scoped3A : memref<!tpu.dma_semaphore, #tpu.memory_space<semaphore_mem>>) src(%dma_wait3A_10 : memref<64xi32, #tpu.memory_space<hbm>>) dst(%arg5 : memref<64xi32, #tpu.memory_space<vmem>>)
      tpu.yield
    }) : () -> ()
    %dma_start3A = arith.constant 0 : i32
    %dma_start3A_3 = arith.constant 0 : i32
    %dma_start3A_4 = tpu.memref_slice %arg3[%dma_start3A, %dma_start3A_3] : memref<100000x768xf32, #tpu.memory_space<hbm>> -> memref<100000x768xf32, #tpu.memory_space<hbm>>
    tpu.enqueue_indirect_dma source(%dma_start3A_4 : memref<100000x768xf32, #tpu.memory_space<hbm>>) target(%arg6 : memref<64x768xf32, #tpu.memory_space<vmem>>) offsets(%arg5 : memref<64xi32, #tpu.memory_space<vmem>>) semaphore(%arg7 : memref<!tpu.dma_semaphore, #tpu.memory_space<semaphore_mem>>)
    %dma_wait3A = arith.constant 0 : i32
    %dma_wait3A_5 = arith.constant 0 : i32
    %dma_wait3A_6 = tpu.memref_slice %arg3[%dma_wait3A, %dma_wait3A_5] : memref<100000x768xf32, #tpu.memory_space<hbm>> -> memref<100000x768xf32, #tpu.memory_space<hbm>>
    tpu.wait_indirect_dma semaphore(%arg7 : memref<!tpu.dma_semaphore, #tpu.memory_space<semaphore_mem>>) src(%dma_wait3A_6 : memref<100000x768xf32, #tpu.memory_space<hbm>>) dst(%arg6 : memref<64x768xf32, #tpu.memory_space<vmem>>)
    "tpu.region"() ({
      %run_scoped3A = tpu.sem_alloc : memref<!tpu.dma_semaphore, #tpu.memory_space<semaphore_mem>>
      %dma_start3A_7 = arith.constant 0 : i32
      %dma_start3A_8 = tpu.memref_slice %arg4[%mul3A_2, %dma_start3A_7] : memref<2048x768xf32, #tpu.memory_space<hbm>> -> memref<64x768xf32, #tpu.memory_space<hbm>>
      %dma_start3A_9 = arith.constant 0 : i32
      %dma_start3A_10 = tpu.memref_slice %arg4[%mul3A_2, %dma_start3A_9] : memref<2048x768xf32, #tpu.memory_space<hbm>> -> memref<64x768xf32, #tpu.memory_space<hbm>>
      tpu.enqueue_dma source(%arg6 : memref<64x768xf32, #tpu.memory_space<vmem>>) target(%dma_start3A_10 : memref<64x768xf32, #tpu.memory_space<hbm>>) target_semaphore(%run_scoped3A : memref<!tpu.dma_semaphore, #tpu.memory_space<semaphore_mem>>)
      %dma_wait3A_11 = arith.constant 0 : i32
      %dma_wait3A_12 = tpu.memref_slice %arg4[%mul3A_2, %dma_wait3A_11] : memref<2048x768xf32, #tpu.memory_space<hbm>> -> memref<64x768xf32, #tpu.memory_space<hbm>>
      %dma_wait3A_13 = arith.constant 0 : i32
      %dma_wait3A_14 = tpu.memref_slice %arg4[%mul3A_2, %dma_wait3A_13] : memref<2048x768xf32, #tpu.memory_space<hbm>> -> memref<64x768xf32, #tpu.memory_space<hbm>>
      tpu.wait_dma2 semaphore(%run_scoped3A : memref<!tpu.dma_semaphore, #tpu.memory_space<semaphore_mem>>) src(%arg6 : memref<64x768xf32, #tpu.memory_space<vmem>>) dst(%dma_wait3A_14 : memref<64x768xf32, #tpu.memory_space<hbm>>)
      tpu.yield
    }) : () -> ()
    return
  }
}

module attributes {stable_mosaic.version = 14 : i64} {
  func.func @_attn_body(%arg0: i32, %arg1: i32, %arg2: memref<256x64xf32, #tpu.memory_space<vmem>>, %arg3: memref<2048x64xf32, #tpu.memory_space<vmem>>, %arg4: memref<2048x64xf32, #tpu.memory_space<vmem>>, %arg5: memref<256x64xf32, #tpu.memory_space<vmem>>) attributes {dimension_semantics = [#tpu.dimension_semantics<arbitrary>, #tpu.dimension_semantics<arbitrary>], iteration_bounds = array<i64: 12, 8>, scalar_prefetch = 0 : i64, scratch_operands = 0 : i64, tpu.core_type = #tpu.core_type<tc>, window_params = [{transform_indices = @transform_0, window_bounds = array<i64: 256, 64>}, {transform_indices = @transform_1, window_bounds = array<i64: 2048, 64>}, {transform_indices = @transform_2, window_bounds = array<i64: 2048, 64>}, {transform_indices = @transform_3, window_bounds = array<i64: 256, 64>}]} {
    %get3A = arith.constant 0 : index
    %get3A_0 = arith.constant 0 : index
    %get3A_1 = vector.load %arg2[%get3A, %get3A_0] : memref<256x64xf32, #tpu.memory_space<vmem>>, vector<256x64xf32>
    %get3A_2 = arith.constant 0 : index
    %get3A_3 = arith.constant 0 : index
    %get3A_4 = vector.load %arg3[%get3A_2, %get3A_3] : memref<2048x64xf32, #tpu.memory_space<vmem>>, vector<2048x64xf32>
    %dot_general3A = arith.constant dense<0.000000e+00> : vector<256x2048xf32>
    %dot_general3A_5 = tpu.matmul %get3A_1, %get3A_4, %dot_general3A {dimension_numbers = #tpu.dot_dimension_numbers<[1], [1], [0], [0], [0, 0, 1, 0], [], []>, transpose_lhs_hint = false} : vector<256x64xf32>, vector<2048x64xf32>, vector<256x2048xf32> -> vector<256x2048xf32>
    %mul3A = arith.constant 1.250000e-01 : f32
    %mul3A_6 = vector.broadcast %mul3A : f32 to vector<256x2048xf32>
    %mul3A_7 = arith.mulf %dot_general3A_5, %mul3A_6 : vector<256x2048xf32>
    %reduce_max3A = arith.constant dense<0xFF800000> : vector<256xf32>
    %reduce_max3A_8 = vector.multi_reduction <maximumf>, %mul3A_7, %reduce_max3A [1] : vector<256x2048xf32> to vector<256xf32>
    %broadcast_in_dim3A = vector.shape_cast %reduce_max3A_8 : vector<256xf32> to vector<256x1xf32>
    %sub3A = vector.broadcast %broadcast_in_dim3A : vector<256x1xf32> to vector<256x2048xf32>
    %sub3A_9 = arith.subf %mul3A_7, %sub3A : vector<256x2048xf32>
    %exp3A = math.exp %sub3A_9 : vector<256x2048xf32>
    %reshape3A = vector.shape_cast %exp3A : vector<256x2048xf32> to vector<256x16x128xf32>
    %slice3A = vector.extract_strided_slice %reshape3A {offsets = [0, 0, 0], sizes = [256, 16, 64], strides = [1, 1, 1]} : vector<256x16x128xf32> to vector<256x16x64xf32>
    %slice3A_10 = vector.extract_strided_slice %reshape3A {offsets = [0, 0, 64], sizes = [256, 16, 64], strides = [1, 1, 1]} : vector<256x16x128xf32> to vector<256x16x64xf32>
    %add3A = arith.addf %slice3A, %slice3A_10 : vector<256x16x64xf32>
    %slice3A_11 = vector.extract_strided_slice %add3A {offsets = [0, 0, 0], sizes = [256, 16, 32], strides = [1, 1, 1]} : vector<256x16x64xf32> to vector<256x16x32xf32>
    %slice3A_12 = vector.extract_strided_slice %add3A {offsets = [0, 0, 32], sizes = [256, 16, 32], strides = [1, 1, 1]} : vector<256x16x64xf32> to vector<256x16x32xf32>
    %add3A_13 = arith.addf %slice3A_11, %slice3A_12 : vector<256x16x32xf32>
    %slice3A_14 = vector.extract_strided_slice %add3A_13 {offsets = [0, 0, 0], sizes = [256, 16, 16], strides = [1, 1, 1]} : vector<256x16x32xf32> to vector<256x16x16xf32>
    %slice3A_15 = vector.extract_strided_slice %add3A_13 {offsets = [0, 0, 16], sizes = [256, 16, 16], strides = [1, 1, 1]} : vector<256x16x32xf32> to vector<256x16x16xf32>
    %add3A_16 = arith.addf %slice3A_14, %slice3A_15 : vector<256x16x16xf32>
    %slice3A_17 = vector.extract_strided_slice %add3A_16 {offsets = [0, 0, 0], sizes = [256, 16, 8], strides = [1, 1, 1]} : vector<256x16x16xf32> to vector<256x16x8xf32>
    %slice3A_18 = vector.extract_strided_slice %add3A_16 {offsets = [0, 0, 8], sizes = [256, 16, 8], strides = [1, 1, 1]} : vector<256x16x16xf32> to vector<256x16x8xf32>
    %add3A_19 = arith.addf %slice3A_17, %slice3A_18 : vector<256x16x8xf32>
    %slice3A_20 = vector.extract_strided_slice %add3A_19 {offsets = [0, 0, 0], sizes = [256, 16, 4], strides = [1, 1, 1]} : vector<256x16x8xf32> to vector<256x16x4xf32>
    %slice3A_21 = vector.extract_strided_slice %add3A_19 {offsets = [0, 0, 4], sizes = [256, 16, 4], strides = [1, 1, 1]} : vector<256x16x8xf32> to vector<256x16x4xf32>
    %add3A_22 = arith.addf %slice3A_20, %slice3A_21 : vector<256x16x4xf32>
    %slice3A_23 = vector.extract_strided_slice %add3A_22 {offsets = [0, 0, 0], sizes = [256, 16, 2], strides = [1, 1, 1]} : vector<256x16x4xf32> to vector<256x16x2xf32>
    %slice3A_24 = vector.extract_strided_slice %add3A_22 {offsets = [0, 0, 2], sizes = [256, 16, 2], strides = [1, 1, 1]} : vector<256x16x4xf32> to vector<256x16x2xf32>
    %add3A_25 = arith.addf %slice3A_23, %slice3A_24 : vector<256x16x2xf32>
    %slice3A_26 = vector.extract_strided_slice %add3A_25 {offsets = [0, 0, 0], sizes = [256, 16, 1], strides = [1, 1, 1]} : vector<256x16x2xf32> to vector<256x16x1xf32>
    %slice3A_27 = vector.extract_strided_slice %add3A_25 {offsets = [0, 0, 1], sizes = [256, 16, 1], strides = [1, 1, 1]} : vector<256x16x2xf32> to vector<256x16x1xf32>
    %add3A_28 = arith.addf %slice3A_26, %slice3A_27 : vector<256x16x1xf32>
    %slice3A_29 = vector.extract_strided_slice %add3A_28 {offsets = [0, 0, 0], sizes = [256, 8, 1], strides = [1, 1, 1]} : vector<256x16x1xf32> to vector<256x8x1xf32>
    %slice3A_30 = vector.extract_strided_slice %add3A_28 {offsets = [0, 8, 0], sizes = [256, 8, 1], strides = [1, 1, 1]} : vector<256x16x1xf32> to vector<256x8x1xf32>
    %add3A_31 = arith.addf %slice3A_29, %slice3A_30 : vector<256x8x1xf32>
    %slice3A_32 = vector.extract_strided_slice %add3A_31 {offsets = [0, 0, 0], sizes = [256, 4, 1], strides = [1, 1, 1]} : vector<256x8x1xf32> to vector<256x4x1xf32>
    %slice3A_33 = vector.extract_strided_slice %add3A_31 {offsets = [0, 4, 0], sizes = [256, 4, 1], strides = [1, 1, 1]} : vector<256x8x1xf32> to vector<256x4x1xf32>
    %add3A_34 = arith.addf %slice3A_32, %slice3A_33 : vector<256x4x1xf32>
    %slice3A_35 = vector.extract_strided_slice %add3A_34 {offsets = [0, 0, 0], sizes = [256, 2, 1], strides = [1, 1, 1]} : vector<256x4x1xf32> to vector<256x2x1xf32>
    %slice3A_36 = vector.extract_strided_slice %add3A_34 {offsets = [0, 2, 0], sizes = [256, 2, 1], strides = [1, 1, 1]} : vector<256x4x1xf32> to vector<256x2x1xf32>
    %add3A_37 = arith.addf %slice3A_35, %slice3A_36 : vector<256x2x1xf32>
    %slice3A_38 = vector.extract_strided_slice %add3A_37 {offsets = [0, 0, 0], sizes = [256, 1, 1], strides = [1, 1, 1]} : vector<256x2x1xf32> to vector<256x1x1xf32>
    %slice3A_39 = vector.extract_strided_slice %add3A_37 {offsets = [0, 1, 0], sizes = [256, 1, 1], strides = [1, 1, 1]} : vector<256x2x1xf32> to vector<256x1x1xf32>
    %add3A_40 = arith.addf %slice3A_38, %slice3A_39 : vector<256x1x1xf32>
    %reshape3A_41 = vector.shape_cast %add3A_40 : vector<256x1x1xf32> to vector<256x1xf32>
    %div3A = vector.broadcast %reshape3A_41 : vector<256x1xf32> to vector<256x2048xf32>
    %div3A_42 = arith.divf %exp3A, %div3A : vector<256x2048xf32>
    %get3A_43 = arith.constant 0 : index
    %get3A_44 = arith.constant 0 : index
    %get3A_45 = vector.load %arg4[%get3A_43, %get3A_44] : memref<2048x64xf32, #tpu.memory_space<vmem>>, vector<2048x64xf32>
    %dot_general3A_46 = arith.constant dense<0.000000e+00> : vector<256x64xf32>
    %dot_general3A_47 = tpu.matmul %div3A_42, %get3A_45, %dot_general3A_46 {dimension_numbers = #tpu.dot_dimension_numbers<[1], [0], [0], [1], [0, 0, 1, 1], [], []>, transpose_lhs_hint = false} : vector<256x2048xf32>, vector<2048x64xf32>, vector<256x64xf32> -> vector<256x64xf32>
    %swap3A = arith.constant 0 : index
    %swap3A_48 = arith.constant 0 : index
    %swap3A_49 = vector.load %arg5[%swap3A, %swap3A_48] : memref<256x64xf32, #tpu.memory_space<vmem>>, vector<256x64xf32>
    tpu.vector_store %arg5[%swap3A, %swap3A_48], %dot_general3A_47 {strides = array<i32>} : memref<256x64xf32, #tpu.memory_space<vmem>>, vector<256x64xf32>,
    return
  }
  func.func @transform_0(%arg0: i32, %arg1: i32) -> (i32, i32) {
    %mul3A = arith.constant 8 : i32
    %mul3A_0 = arith.muli %arg0, %mul3A : i32
    %add3A = arith.addi %mul3A_0, %arg1 : i32
    %c0_i32 = arith.constant 0 : i32
    %c0_i32_1 = arith.constant 0 : i32
    return %add3A, %c0_i32 : i32, i32
  }
  func.func @transform_1(%arg0: i32, %arg1: i32) -> (i32, i32) {
    %c0_i32 = arith.constant 0 : i32
    %c0_i32_0 = arith.constant 0 : i32
    return %arg0, %c0_i32 : i32, i32
  }
  func.func @transform_2(%arg0: i32, %arg1: i32) -> (i32, i32) {
    %c0_i32 = arith.constant 0 : i32
    %c0_i32_0 = arith.constant 0 : i32
    return %arg0, %c0_i32 : i32, i32
  }
  func.func @transform_3(%arg0: i32, %arg1: i32) -> (i32, i32) {
    %mul3A = arith.constant 8 : i32
    %mul3A_0 = arith.muli %arg0, %mul3A : i32
    %add3A = arith.addi %mul3A_0, %arg1 : i32
    %c0_i32 = arith.constant 0 : i32
    %c0_i32_1 = arith.constant 0 : i32
    return %add3A, %c0_i32 : i32, i32
  }
}

module attributes {stable_mosaic.version = 14 : i64} {
  func.func @_route_body(%arg0: i32, %arg1: memref<256x768xf32, #tpu.memory_space<vmem>>, %arg2: memref<768x8xf32, #tpu.memory_space<vmem>>, %arg3: memref<1x8xf32, #tpu.memory_space<vmem>>, %arg4: memref<256x1xi32, #tpu.memory_space<vmem>>, %arg5: memref<256x1xf32, #tpu.memory_space<vmem>>, %arg6: memref<256x1xf32, #tpu.memory_space<vmem>>, %arg7: memref<1x8xf32, #tpu.memory_space<vmem>>) attributes {dimension_semantics = [#tpu.dimension_semantics<arbitrary>], iteration_bounds = array<i64: 8>, scalar_prefetch = 0 : i64, scratch_operands = 1 : i64, tpu.core_type = #tpu.core_type<tc>, window_params = [{transform_indices = @transform_0, window_bounds = array<i64: 256, 768>}, {pipeline_mode = #tpu.pipeline_mode<synchronous>, transform_indices = @transform_1, window_bounds = array<i64: 768, 8>}, {pipeline_mode = #tpu.pipeline_mode<synchronous>, transform_indices = @transform_2, window_bounds = array<i64: 1, 8>}, {transform_indices = @transform_3, window_bounds = array<i64: 256, 1>}, {transform_indices = @transform_4, window_bounds = array<i64: 256, 1>}, {transform_indices = @transform_5, window_bounds = array<i64: 256, 1>}]} {
    %eq3A = arith.constant 0 : i32
    %eq3A_0 = arith.cmpi eq, %arg0, %eq3A : i32
    %convert_element_type3A = arith.extui %eq3A_0 : i1 to i32
    %cond3A = arith.constant 0 : i32
    %cond3A_1 = arith.cmpi ne, %convert_element_type3A, %cond3A : i32
    scf.if %cond3A_1 {
      %broadcast_in_dim3A_94 = arith.constant 0.000000e+00 : f32
      %broadcast_in_dim3A_95 = vector.broadcast %broadcast_in_dim3A_94 : f32 to vector<1x8xf32>
      %swap3A_96 = arith.constant 0 : index
      %swap3A_97 = arith.constant 0 : index
      %swap3A_98 = vector.load %arg7[%swap3A_96, %swap3A_97] : memref<1x8xf32, #tpu.memory_space<vmem>>, vector<1x8xf32>
      tpu.vector_store %arg7[%swap3A_96, %swap3A_97], %broadcast_in_dim3A_95 {strides = array<i32>} : memref<1x8xf32, #tpu.memory_space<vmem>>, vector<1x8xf32>,
    } else {
    }
    %get3A = arith.constant 0 : index
    %get3A_2 = arith.constant 0 : index
    %get3A_3 = vector.load %arg1[%get3A, %get3A_2] : memref<256x768xf32, #tpu.memory_space<vmem>>, vector<256x768xf32>
    %get3A_4 = arith.constant 0 : index
    %get3A_5 = arith.constant 0 : index
    %get3A_6 = vector.load %arg2[%get3A_4, %get3A_5] : memref<768x8xf32, #tpu.memory_space<vmem>>, vector<768x8xf32>
    %slice3A = vector.extract_strided_slice %get3A_3 {offsets = [0, 0], sizes = [256, 256], strides = [1, 1]} : vector<256x768xf32> to vector<256x256xf32>
    %slice3A_7 = vector.extract_strided_slice %get3A_6 {offsets = [0, 0], sizes = [256, 8], strides = [1, 1]} : vector<768x8xf32> to vector<256x8xf32>
    %dot_general3A = arith.constant dense<0.000000e+00> : vector<256x8xf32>
    %dot_general3A_8 = tpu.matmul %slice3A, %slice3A_7, %dot_general3A {dimension_numbers = #tpu.dot_dimension_numbers<[1], [0], [0], [1], [0, 0, 1, 1], [], []>, transpose_lhs_hint = false} : vector<256x256xf32>, vector<256x8xf32>, vector<256x8xf32> -> vector<256x8xf32>
    %slice3A_9 = vector.extract_strided_slice %get3A_3 {offsets = [0, 256], sizes = [256, 256], strides = [1, 1]} : vector<256x768xf32> to vector<256x256xf32>
    %slice3A_10 = vector.extract_strided_slice %get3A_6 {offsets = [256, 0], sizes = [256, 8], strides = [1, 1]} : vector<768x8xf32> to vector<256x8xf32>
    %dot_general3A_11 = arith.constant dense<0.000000e+00> : vector<256x8xf32>
    %dot_general3A_12 = tpu.matmul %slice3A_9, %slice3A_10, %dot_general3A_11 {dimension_numbers = #tpu.dot_dimension_numbers<[1], [0], [0], [1], [0, 0, 1, 1], [], []>, transpose_lhs_hint = false} : vector<256x256xf32>, vector<256x8xf32>, vector<256x8xf32> -> vector<256x8xf32>
    %add3A = arith.addf %dot_general3A_8, %dot_general3A_12 : vector<256x8xf32>
    %slice3A_13 = vector.extract_strided_slice %get3A_3 {offsets = [0, 512], sizes = [256, 256], strides = [1, 1]} : vector<256x768xf32> to vector<256x256xf32>
    %slice3A_14 = vector.extract_strided_slice %get3A_6 {offsets = [512, 0], sizes = [256, 8], strides = [1, 1]} : vector<768x8xf32> to vector<256x8xf32>
    %dot_general3A_15 = arith.constant dense<0.000000e+00> : vector<256x8xf32>
    %dot_general3A_16 = tpu.matmul %slice3A_13, %slice3A_14, %dot_general3A_15 {dimension_numbers = #tpu.dot_dimension_numbers<[1], [0], [0], [1], [0, 0, 1, 1], [], []>, transpose_lhs_hint = false} : vector<256x256xf32>, vector<256x8xf32>, vector<256x8xf32> -> vector<256x8xf32>
    %add3A_17 = arith.addf %add3A, %dot_general3A_16 : vector<256x8xf32>
    %get3A_18 = arith.constant 0 : index
    %get3A_19 = arith.constant 0 : index
    %get3A_20 = vector.load %arg3[%get3A_18, %get3A_19] : memref<1x8xf32, #tpu.memory_space<vmem>>, vector<1x8xf32>
    %add3A_21 = vector.broadcast %get3A_20 : vector<1x8xf32> to vector<256x8xf32>
    %add3A_22 = arith.addf %add3A_17, %add3A_21 : vector<256x8xf32>
    %reduce_max3A = arith.constant dense<0xFF800000> : vector<256xf32>
    %reduce_max3A_23 = vector.multi_reduction <maximumf>, %add3A_22, %reduce_max3A [1] : vector<256x8xf32> to vector<256xf32>
    %broadcast_in_dim3A = vector.shape_cast %reduce_max3A_23 : vector<256xf32> to vector<256x1xf32>
    %sub3A = vector.broadcast %broadcast_in_dim3A : vector<256x1xf32> to vector<256x8xf32>
    %sub3A_24 = arith.subf %add3A_22, %sub3A : vector<256x8xf32>
    %exp3A = math.exp %sub3A_24 : vector<256x8xf32>
    %slice3A_25 = vector.extract_strided_slice %exp3A {offsets = [0, 0], sizes = [256, 4], strides = [1, 1]} : vector<256x8xf32> to vector<256x4xf32>
    %slice3A_26 = vector.extract_strided_slice %exp3A {offsets = [0, 4], sizes = [256, 4], strides = [1, 1]} : vector<256x8xf32> to vector<256x4xf32>
    %add3A_27 = arith.addf %slice3A_25, %slice3A_26 : vector<256x4xf32>
    %slice3A_28 = vector.extract_strided_slice %add3A_27 {offsets = [0, 0], sizes = [256, 2], strides = [1, 1]} : vector<256x4xf32> to vector<256x2xf32>
    %slice3A_29 = vector.extract_strided_slice %add3A_27 {offsets = [0, 2], sizes = [256, 2], strides = [1, 1]} : vector<256x4xf32> to vector<256x2xf32>
    %add3A_30 = arith.addf %slice3A_28, %slice3A_29 : vector<256x2xf32>
    %slice3A_31 = vector.extract_strided_slice %add3A_30 {offsets = [0, 0], sizes = [256, 1], strides = [1, 1]} : vector<256x2xf32> to vector<256x1xf32>
    %slice3A_32 = vector.extract_strided_slice %add3A_30 {offsets = [0, 1], sizes = [256, 1], strides = [1, 1]} : vector<256x2xf32> to vector<256x1xf32>
    %add3A_33 = arith.addf %slice3A_31, %slice3A_32 : vector<256x1xf32>
    %div3A = vector.broadcast %add3A_33 : vector<256x1xf32> to vector<256x8xf32>
    %div3A_34 = arith.divf %exp3A, %div3A : vector<256x8xf32>
    %reduce_max3A_35 = arith.constant dense<0xFF800000> : vector<256xf32>
    %reduce_max3A_36 = vector.multi_reduction <maximumf>, %div3A_34, %reduce_max3A_35 [1] : vector<256x8xf32> to vector<256xf32>
    %broadcast_in_dim3A_37 = vector.shape_cast %reduce_max3A_36 : vector<256xf32> to vector<256x1xf32>
    %iota3A = tpu.iota {dimensions = array<i32: 1>} : vector<256x8xi32>
    %eq3A_38 = vector.broadcast %broadcast_in_dim3A_37 : vector<256x1xf32> to vector<256x8xf32>
    %eq3A_39 = arith.cmpf oeq, %div3A_34, %eq3A_38 : vector<256x8xf32>
    %jit3A = arith.constant 8 : i32
    %broadcast_in_dim3A_40 = vector.broadcast %jit3A : i32 to vector<256x8xi32>
    %select_n3A = arith.select %eq3A_39, %iota3A, %broadcast_in_dim3A_40 : vector<256x8xi1>, vector<256x8xi32>
    %reduce_min3A = arith.constant dense<2147483647> : vector<256xi32>
    %reduce_min3A_41 = vector.multi_reduction <minsi>, %select_n3A, %reduce_min3A [1] : vector<256x8xi32> to vector<256xi32>
    %broadcast_in_dim3A_42 = vector.shape_cast %reduce_min3A_41 : vector<256xi32> to vector<256x1xi32>
    %eq3A_43 = vector.broadcast %broadcast_in_dim3A_42 : vector<256x1xi32> to vector<256x8xi32>
    %eq3A_44 = arith.cmpi eq, %iota3A, %eq3A_43 : vector<256x8xi32>
    %convert_element_type3A_45 = arith.extui %eq3A_44 : vector<256x8xi1> to vector<256x8xi32>
    %convert_element_type3A_46 = arith.sitofp %convert_element_type3A_45 : vector<256x8xi32> to vector<256x8xf32>
    %iota3A_47 = tpu.iota {dimensions = array<i32: 0>} : vector<256x256xi32>
    %iota3A_48 = tpu.iota {dimensions = array<i32: 1>} : vector<256x256xi32>
    %ge3A = arith.cmpi sge, %iota3A_47, %iota3A_48 : vector<256x256xi32>
    %convert_element_type3A_49 = arith.extui %ge3A : vector<256x256xi1> to vector<256x256xi32>
    %convert_element_type3A_50 = arith.sitofp %convert_element_type3A_49 : vector<256x256xi32> to vector<256x256xf32>
    %dot_general3A_51 = arith.constant dense<0.000000e+00> : vector<256x8xf32>
    %dot_general3A_52 = tpu.matmul %convert_element_type3A_50, %convert_element_type3A_46, %dot_general3A_51 {dimension_numbers = #tpu.dot_dimension_numbers<[1], [0], [0], [1], [0, 0, 1, 1], [], []>, precision = #tpu.contract_precision<fp32>, transpose_lhs_hint = false} : vector<256x256xf32>, vector<256x8xf32>, vector<256x8xf32> -> vector<256x8xf32>
    %get3A_53 = arith.constant 0 : index
    %get3A_54 = arith.constant 0 : index
    %get3A_55 = vector.load %arg7[%get3A_53, %get3A_54] : memref<1x8xf32, #tpu.memory_space<vmem>>, vector<1x8xf32>
    %add3A_56 = vector.broadcast %get3A_55 : vector<1x8xf32> to vector<256x8xf32>
    %add3A_57 = arith.addf %dot_general3A_52, %add3A_56 : vector<256x8xf32>
    %mul3A = arith.mulf %add3A_57, %convert_element_type3A_46 : vector<256x8xf32>
    %reduce_sum3A = arith.constant dense<0.000000e+00> : vector<256xf32>
    %reduce_sum3A_58 = vector.multi_reduction <add>, %mul3A, %reduce_sum3A [1] : vector<256x8xf32> to vector<256xf32>
    %broadcast_in_dim3A_59 = vector.shape_cast %reduce_sum3A_58 : vector<256xf32> to vector<256x1xf32>
    %sub3A_60 = arith.constant 1.000000e+00 : f32
    %sub3A_61 = vector.broadcast %sub3A_60 : f32 to vector<256x1xf32>
    %sub3A_62 = arith.subf %broadcast_in_dim3A_59, %sub3A_61 : vector<256x1xf32>
    %convert_element_type3A_63 = arith.fptosi %sub3A_62 : vector<256x1xf32> to vector<256x1xi32>
    %lt3A = arith.constant 320 : i32
    %lt3A_64 = vector.broadcast %lt3A : i32 to vector<256x1xi32>
    %lt3A_65 = arith.cmpi slt, %convert_element_type3A_63, %lt3A_64 : vector<256x1xi32>
    %jit3A_66 = arith.constant 0 : i32
    %jit3A_67 = arith.constant 319 : i32
    %max3A = vector.broadcast %jit3A_66 : i32 to vector<256x1xi32>
    %max3A_68 = arith.maxsi %max3A, %convert_element_type3A_63 : vector<256x1xi32>
    %min3A = vector.broadcast %jit3A_67 : i32 to vector<256x1xi32>
    %min3A_69 = arith.minsi %min3A, %max3A_68 : vector<256x1xi32>
    %mul3A_70 = arith.constant 320 : i32
    %mul3A_71 = vector.broadcast %mul3A_70 : i32 to vector<256x1xi32>
    %mul3A_72 = arith.muli %broadcast_in_dim3A_42, %mul3A_71 : vector<256x1xi32>
    %add3A_73 = arith.addi %mul3A_72, %min3A_69 : vector<256x1xi32>
    %swap3A = arith.constant 0 : index
    %swap3A_74 = arith.constant 0 : index
    %swap3A_75 = vector.load %arg4[%swap3A, %swap3A_74] : memref<256x1xi32, #tpu.memory_space<vmem>>, vector<256x1xi32>
    tpu.vector_store %arg4[%swap3A, %swap3A_74], %add3A_73 {strides = array<i32>} : memref<256x1xi32, #tpu.memory_space<vmem>>, vector<256x1xi32>,
    %convert_element_type3A_76 = arith.extui %lt3A_65 : vector<256x1xi1> to vector<256x1xi32>
    %convert_element_type3A_77 = arith.sitofp %convert_element_type3A_76 : vector<256x1xi32> to vector<256x1xf32>
    %swap3A_78 = arith.constant 0 : index
    %swap3A_79 = arith.constant 0 : index
    %swap3A_80 = vector.load %arg5[%swap3A_78, %swap3A_79] : memref<256x1xf32, #tpu.memory_space<vmem>>, vector<256x1xf32>
    tpu.vector_store %arg5[%swap3A_78, %swap3A_79], %convert_element_type3A_77 {strides = array<i32>} : memref<256x1xf32, #tpu.memory_space<vmem>>, vector<256x1xf32>,
    %swap3A_81 = arith.constant 0 : index
    %swap3A_82 = arith.constant 0 : index
    %swap3A_83 = vector.load %arg6[%swap3A_81, %swap3A_82] : memref<256x1xf32, #tpu.memory_space<vmem>>, vector<256x1xf32>
    tpu.vector_store %arg6[%swap3A_81, %swap3A_82], %broadcast_in_dim3A_37 {strides = array<i32>} : memref<256x1xf32, #tpu.memory_space<vmem>>, vector<256x1xf32>,
    %get3A_84 = arith.constant 0 : index
    %get3A_85 = arith.constant 0 : index
    %get3A_86 = vector.load %arg7[%get3A_84, %get3A_85] : memref<1x8xf32, #tpu.memory_space<vmem>>, vector<1x8xf32>
    %reduce_sum3A_87 = arith.constant dense<0.000000e+00> : vector<8xf32>
    %reduce_sum3A_88 = vector.multi_reduction <add>, %convert_element_type3A_46, %reduce_sum3A_87 [0] : vector<256x8xf32> to vector<8xf32>
    %broadcast_in_dim3A_89 = vector.shape_cast %reduce_sum3A_88 : vector<8xf32> to vector<1x8xf32>
    %add3A_90 = arith.addf %get3A_86, %broadcast_in_dim3A_89 : vector<1x8xf32>
    %swap3A_91 = arith.constant 0 : index
    %swap3A_92 = arith.constant 0 : index
    %swap3A_93 = vector.load %arg7[%swap3A_91, %swap3A_92] : memref<1x8xf32, #tpu.memory_space<vmem>>, vector<1x8xf32>
    tpu.vector_store %arg7[%swap3A_91, %swap3A_92], %add3A_90 {strides = array<i32>} : memref<1x8xf32, #tpu.memory_space<vmem>>, vector<1x8xf32>,
    return
  }
  func.func @transform_0(%arg0: i32) -> (i32, i32) {
    %c0_i32 = arith.constant 0 : i32
    %c0_i32_0 = arith.constant 0 : i32
    return %arg0, %c0_i32 : i32, i32
  }
  func.func @transform_1(%arg0: i32) -> (i32, i32) {
    %c0_i32 = arith.constant 0 : i32
    %c0_i32_0 = arith.constant 0 : i32
    %c0_i32_1 = arith.constant 0 : i32
    return %c0_i32, %c0_i32_0 : i32, i32
  }
  func.func @transform_2(%arg0: i32) -> (i32, i32) {
    %c0_i32 = arith.constant 0 : i32
    %c0_i32_0 = arith.constant 0 : i32
    %c0_i32_1 = arith.constant 0 : i32
    return %c0_i32, %c0_i32_0 : i32, i32
  }
  func.func @transform_3(%arg0: i32) -> (i32, i32) {
    %c0_i32 = arith.constant 0 : i32
    %c0_i32_0 = arith.constant 0 : i32
    return %arg0, %c0_i32 : i32, i32
  }
  func.func @transform_4(%arg0: i32) -> (i32, i32) {
    %c0_i32 = arith.constant 0 : i32
    %c0_i32_0 = arith.constant 0 : i32
    return %arg0, %c0_i32 : i32, i32
  }
  func.func @transform_5(%arg0: i32) -> (i32, i32) {
    %c0_i32 = arith.constant 0 : i32
    %c0_i32_0 = arith.constant 0 : i32
    return %arg0, %c0_i32 : i32, i32
  }
}

module attributes {stable_mosaic.version = 14 : i64} {
  func.func @_expert_body(%arg0: i32, %arg1: i32, %arg2: memref<2048x768xf32, #tpu.memory_space<vmem>>, %arg3: memref<2048x1xi32, #tpu.memory_space<vmem>>, %arg4: memref<2048x1xf32, #tpu.memory_space<vmem>>, %arg5: memref<1x768x768xf32, #tpu.memory_space<vmem>>, %arg6: memref<1x1x768xf32, #tpu.memory_space<vmem>>, %arg7: memref<1x768x768xf32, #tpu.memory_space<vmem>>, %arg8: memref<1x1x768xf32, #tpu.memory_space<vmem>>, %arg9: memref<1x320x768xf32, #tpu.memory_space<vmem>>, %arg10: memref<320x768xf32, #tpu.memory_space<vmem>>, %arg11: memref<320x768xf32, #tpu.memory_space<vmem>>) attributes {dimension_semantics = [#tpu.dimension_semantics<arbitrary>, #tpu.dimension_semantics<arbitrary>], iteration_bounds = array<i64: 8, 4>, scalar_prefetch = 0 : i64, scratch_operands = 2 : i64, tpu.core_type = #tpu.core_type<tc>, window_params = [{pipeline_mode = #tpu.pipeline_mode<synchronous>, transform_indices = @transform_0, window_bounds = array<i64: 2048, 768>}, {pipeline_mode = #tpu.pipeline_mode<synchronous>, transform_indices = @transform_1, window_bounds = array<i64: 2048, 1>}, {pipeline_mode = #tpu.pipeline_mode<synchronous>, transform_indices = @transform_2, window_bounds = array<i64: 2048, 1>}, {transform_indices = @transform_3, window_bounds = array<i64: 1, 768, 768>}, {transform_indices = @transform_4, window_bounds = array<i64: 1, 1, 768>}, {transform_indices = @transform_5, window_bounds = array<i64: 1, 768, 768>}, {transform_indices = @transform_6, window_bounds = array<i64: 1, 1, 768>}, {transform_indices = @transform_7, window_bounds = array<i64: 1, 320, 768>}]} {
    %eq3A = arith.constant 0 : i32
    %eq3A_0 = arith.cmpi eq, %arg1, %eq3A : i32
    %convert_element_type3A = arith.extui %eq3A_0 : i1 to i32
    %cond3A = arith.constant 0 : i32
    %cond3A_1 = arith.cmpi ne, %convert_element_type3A, %cond3A : i32
    scf.if %cond3A_1 {
      %iota3A = tpu.iota {dimensions = array<i32: 1>} : vector<2048x320xi32>
      %get3A_62 = arith.constant 0 : index
      %get3A_63 = arith.constant 0 : index
      %get3A_64 = vector.load %arg3[%get3A_62, %get3A_63] : memref<2048x1xi32, #tpu.memory_space<vmem>>, vector<2048x1xi32>
      %mul3A = arith.constant 320 : i32
      %mul3A_65 = arith.muli %arg0, %mul3A : i32
      %add3A_66 = vector.broadcast %mul3A_65 : i32 to vector<2048x320xi32>
      %add3A_67 = arith.addi %add3A_66, %iota3A : vector<2048x320xi32>
      %eq3A_68 = vector.broadcast %get3A_64 : vector<2048x1xi32> to vector<2048x320xi32>
      %eq3A_69 = arith.cmpi eq, %eq3A_68, %add3A_67 : vector<2048x320xi32>
      %convert_element_type3A_70 = arith.extui %eq3A_69 : vector<2048x320xi1> to vector<2048x320xi32>
      %convert_element_type3A_71 = arith.sitofp %convert_element_type3A_70 : vector<2048x320xi32> to vector<2048x320xf32>
      %get3A_72 = arith.constant 0 : index
      %get3A_73 = arith.constant 0 : index
      %get3A_74 = vector.load %arg4[%get3A_72, %get3A_73] : memref<2048x1xf32, #tpu.memory_space<vmem>>, vector<2048x1xf32>
      %mul3A_75 = vector.broadcast %get3A_74 : vector<2048x1xf32> to vector<2048x320xf32>
      %mul3A_76 = arith.mulf %convert_element_type3A_71, %mul3A_75 : vector<2048x320xf32>
      %get3A_77 = arith.constant 0 : index
      %get3A_78 = arith.constant 0 : index
      %get3A_79 = vector.load %arg2[%get3A_77, %get3A_78] : memref<2048x768xf32, #tpu.memory_space<vmem>>, vector<2048x768xf32>
      %dot_general3A_80 = arith.constant dense<0.000000e+00> : vector<320x768xf32>
      %dot_general3A_81 = tpu.matmul %mul3A_76, %get3A_79, %dot_general3A_80 {dimension_numbers = #tpu.dot_dimension_numbers<[0], [0], [1], [1], [0, 1, 1, 1], [], []>, precision = #tpu.contract_precision<fp32>, transpose_lhs_hint = false} : vector<2048x320xf32>, vector<2048x768xf32>, vector<320x768xf32> -> vector<320x768xf32>
      %swap3A = arith.constant 0 : index
      %swap3A_82 = arith.constant 0 : index
      %swap3A_83 = vector.load %arg10[%swap3A, %swap3A_82] : memref<320x768xf32, #tpu.memory_space<vmem>>, vector<320x768xf32>
      tpu.vector_store %arg10[%swap3A, %swap3A_82], %dot_general3A_81 {strides = array<i32>} : memref<320x768xf32, #tpu.memory_space<vmem>>, vector<320x768xf32>,
    } else {
    }
    %get3A = arith.constant 0 : index
    %get3A_2 = arith.constant 0 : index
    %get3A_3 = vector.load %arg10[%get3A, %get3A_2] : memref<320x768xf32, #tpu.memory_space<vmem>>, vector<320x768xf32>
    %get3A_4 = arith.constant 0 : index
    %get3A_5 = arith.constant 0 : index
    %get3A_6 = arith.constant 0 : index
    %get3A_7 = vector.load %arg5[%get3A_4, %get3A_5, %get3A_6] : memref<1x768x768xf32, #tpu.memory_space<vmem>>, vector<1x768x768xf32>
    %get3A_8 = vector.shape_cast %get3A_7 : vector<1x768x768xf32> to vector<768x768xf32>
    %slice3A = vector.extract_strided_slice %get3A_3 {offsets = [0, 0], sizes = [320, 256], strides = [1, 1]} : vector<320x768xf32> to vector<320x256xf32>
    %slice3A_9 = vector.extract_strided_slice %get3A_8 {offsets = [0, 0], sizes = [256, 768], strides = [1, 1]} : vector<768x768xf32> to vector<256x768xf32>
    %dot_general3A = arith.constant dense<0.000000e+00> : vector<320x768xf32>
    %dot_general3A_10 = tpu.matmul %slice3A, %slice3A_9, %dot_general3A {dimension_numbers = #tpu.dot_dimension_numbers<[1], [0], [0], [1], [0, 0, 1, 1], [], []>, transpose_lhs_hint = false} : vector<320x256xf32>, vector<256x768xf32>, vector<320x768xf32> -> vector<320x768xf32>
    %slice3A_11 = vector.extract_strided_slice %get3A_3 {offsets = [0, 256], sizes = [320, 256], strides = [1, 1]} : vector<320x768xf32> to vector<320x256xf32>
    %slice3A_12 = vector.extract_strided_slice %get3A_8 {offsets = [256, 0], sizes = [256, 768], strides = [1, 1]} : vector<768x768xf32> to vector<256x768xf32>
    %dot_general3A_13 = arith.constant dense<0.000000e+00> : vector<320x768xf32>
    %dot_general3A_14 = tpu.matmul %slice3A_11, %slice3A_12, %dot_general3A_13 {dimension_numbers = #tpu.dot_dimension_numbers<[1], [0], [0], [1], [0, 0, 1, 1], [], []>, transpose_lhs_hint = false} : vector<320x256xf32>, vector<256x768xf32>, vector<320x768xf32> -> vector<320x768xf32>
    %add3A = arith.addf %dot_general3A_10, %dot_general3A_14 : vector<320x768xf32>
    %slice3A_15 = vector.extract_strided_slice %get3A_3 {offsets = [0, 512], sizes = [320, 256], strides = [1, 1]} : vector<320x768xf32> to vector<320x256xf32>
    %slice3A_16 = vector.extract_strided_slice %get3A_8 {offsets = [512, 0], sizes = [256, 768], strides = [1, 1]} : vector<768x768xf32> to vector<256x768xf32>
    %dot_general3A_17 = arith.constant dense<0.000000e+00> : vector<320x768xf32>
    %dot_general3A_18 = tpu.matmul %slice3A_15, %slice3A_16, %dot_general3A_17 {dimension_numbers = #tpu.dot_dimension_numbers<[1], [0], [0], [1], [0, 0, 1, 1], [], []>, transpose_lhs_hint = false} : vector<320x256xf32>, vector<256x768xf32>, vector<320x768xf32> -> vector<320x768xf32>
    %add3A_19 = arith.addf %add3A, %dot_general3A_18 : vector<320x768xf32>
    %get3A_20 = arith.constant 0 : index
    %get3A_21 = arith.constant 0 : index
    %get3A_22 = arith.constant 0 : index
    %get3A_23 = vector.load %arg6[%get3A_20, %get3A_21, %get3A_22] : memref<1x1x768xf32, #tpu.memory_space<vmem>>, vector<1x1x768xf32>
    %get3A_24 = vector.shape_cast %get3A_23 : vector<1x1x768xf32> to vector<1x768xf32>
    %add3A_25 = vector.broadcast %get3A_24 : vector<1x768xf32> to vector<320x768xf32>
    %add3A_26 = arith.addf %add3A_19, %add3A_25 : vector<320x768xf32>
    %max3A = arith.constant 0.000000e+00 : f32
    %max3A_27 = vector.broadcast %max3A : f32 to vector<320x768xf32>
    %max3A_28 = arith.maximumf %add3A_26, %max3A_27 : vector<320x768xf32>
    %get3A_29 = arith.constant 0 : index
    %get3A_30 = arith.constant 0 : index
    %get3A_31 = arith.constant 0 : index
    %get3A_32 = vector.load %arg7[%get3A_29, %get3A_30, %get3A_31] : memref<1x768x768xf32, #tpu.memory_space<vmem>>, vector<1x768x768xf32>
    %get3A_33 = vector.shape_cast %get3A_32 : vector<1x768x768xf32> to vector<768x768xf32>
    %slice3A_34 = vector.extract_strided_slice %max3A_28 {offsets = [0, 0], sizes = [320, 256], strides = [1, 1]} : vector<320x768xf32> to vector<320x256xf32>
    %slice3A_35 = vector.extract_strided_slice %get3A_33 {offsets = [0, 0], sizes = [256, 768], strides = [1, 1]} : vector<768x768xf32> to vector<256x768xf32>
    %dot_general3A_36 = arith.constant dense<0.000000e+00> : vector<320x768xf32>
    %dot_general3A_37 = tpu.matmul %slice3A_34, %slice3A_35, %dot_general3A_36 {dimension_numbers = #tpu.dot_dimension_numbers<[1], [0], [0], [1], [0, 0, 1, 1], [], []>, transpose_lhs_hint = false} : vector<320x256xf32>, vector<256x768xf32>, vector<320x768xf32> -> vector<320x768xf32>
    %slice3A_38 = vector.extract_strided_slice %max3A_28 {offsets = [0, 256], sizes = [320, 256], strides = [1, 1]} : vector<320x768xf32> to vector<320x256xf32>
    %slice3A_39 = vector.extract_strided_slice %get3A_33 {offsets = [256, 0], sizes = [256, 768], strides = [1, 1]} : vector<768x768xf32> to vector<256x768xf32>
    %dot_general3A_40 = arith.constant dense<0.000000e+00> : vector<320x768xf32>
    %dot_general3A_41 = tpu.matmul %slice3A_38, %slice3A_39, %dot_general3A_40 {dimension_numbers = #tpu.dot_dimension_numbers<[1], [0], [0], [1], [0, 0, 1, 1], [], []>, transpose_lhs_hint = false} : vector<320x256xf32>, vector<256x768xf32>, vector<320x768xf32> -> vector<320x768xf32>
    %add3A_42 = arith.addf %dot_general3A_37, %dot_general3A_41 : vector<320x768xf32>
    %slice3A_43 = vector.extract_strided_slice %max3A_28 {offsets = [0, 512], sizes = [320, 256], strides = [1, 1]} : vector<320x768xf32> to vector<320x256xf32>
    %slice3A_44 = vector.extract_strided_slice %get3A_33 {offsets = [512, 0], sizes = [256, 768], strides = [1, 1]} : vector<768x768xf32> to vector<256x768xf32>
    %dot_general3A_45 = arith.constant dense<0.000000e+00> : vector<320x768xf32>
    %dot_general3A_46 = tpu.matmul %slice3A_43, %slice3A_44, %dot_general3A_45 {dimension_numbers = #tpu.dot_dimension_numbers<[1], [0], [0], [1], [0, 0, 1, 1], [], []>, transpose_lhs_hint = false} : vector<320x256xf32>, vector<256x768xf32>, vector<320x768xf32> -> vector<320x768xf32>
    %add3A_47 = arith.addf %add3A_42, %dot_general3A_46 : vector<320x768xf32>
    %eq3A_48 = arith.constant 0 : i32
    %eq3A_49 = arith.cmpi eq, %arg1, %eq3A_48 : i32
    %convert_element_type3A_50 = arith.extui %eq3A_49 : i1 to i32
    %cond3A_51 = arith.constant 0 : i32
    %cond3A_52 = arith.cmpi ne, %convert_element_type3A_50, %cond3A_51 : i32
    scf.if %cond3A_52 {
      %swap3A = arith.constant 0 : index
      %swap3A_62 = arith.constant 0 : index
      %swap3A_63 = vector.load %arg11[%swap3A, %swap3A_62] : memref<320x768xf32, #tpu.memory_space<vmem>>, vector<320x768xf32>
      tpu.vector_store %arg11[%swap3A, %swap3A_62], %add3A_47 {strides = array<i32>} : memref<320x768xf32, #tpu.memory_space<vmem>>, vector<320x768xf32>,
    } else {
    }
    %gt3A = arith.constant 0 : i32
    %gt3A_53 = arith.cmpi sgt, %arg1, %gt3A : i32
    %convert_element_type3A_54 = arith.extui %gt3A_53 : i1 to i32
    %cond3A_55 = arith.constant 0 : i32
    %cond3A_56 = arith.cmpi ne, %convert_element_type3A_54, %cond3A_55 : i32
    scf.if %cond3A_56 {
      %get3A_62 = arith.constant 0 : index
      %get3A_63 = arith.constant 0 : index
      %get3A_64 = vector.load %arg11[%get3A_62, %get3A_63] : memref<320x768xf32, #tpu.memory_space<vmem>>, vector<320x768xf32>
      %add3A_65 = arith.addf %get3A_64, %add3A_47 : vector<320x768xf32>
      %swap3A = arith.constant 0 : index
      %swap3A_66 = arith.constant 0 : index
      %swap3A_67 = vector.load %arg11[%swap3A, %swap3A_66] : memref<320x768xf32, #tpu.memory_space<vmem>>, vector<320x768xf32>
      tpu.vector_store %arg11[%swap3A, %swap3A_66], %add3A_65 {strides = array<i32>} : memref<320x768xf32, #tpu.memory_space<vmem>>, vector<320x768xf32>,
    } else {
    }
    %eq3A_57 = arith.constant 3 : i32
    %eq3A_58 = arith.cmpi eq, %arg1, %eq3A_57 : i32
    %convert_element_type3A_59 = arith.extui %eq3A_58 : i1 to i32
    %cond3A_60 = arith.constant 0 : i32
    %cond3A_61 = arith.cmpi ne, %convert_element_type3A_59, %cond3A_60 : i32
    scf.if %cond3A_61 {
      %get3A_62 = arith.constant 0 : index
      %get3A_63 = arith.constant 0 : index
      %get3A_64 = vector.load %arg11[%get3A_62, %get3A_63] : memref<320x768xf32, #tpu.memory_space<vmem>>, vector<320x768xf32>
      %get3A_65 = arith.constant 0 : index
      %get3A_66 = arith.constant 0 : index
      %get3A_67 = arith.constant 0 : index
      %get3A_68 = vector.load %arg8[%get3A_65, %get3A_66, %get3A_67] : memref<1x1x768xf32, #tpu.memory_space<vmem>>, vector<1x1x768xf32>
      %get3A_69 = vector.shape_cast %get3A_68 : vector<1x1x768xf32> to vector<1x768xf32>
      %add3A_70 = vector.broadcast %get3A_69 : vector<1x768xf32> to vector<320x768xf32>
      %add3A_71 = arith.addf %get3A_64, %add3A_70 : vector<320x768xf32>
      %swap3A = arith.constant 0 : index
      %swap3A_72 = arith.constant 0 : index
      %swap3A_73 = arith.constant 0 : index
      %swap3A_74 = vector.load %arg9[%swap3A, %swap3A_72, %swap3A_73] : memref<1x320x768xf32, #tpu.memory_space<vmem>>, vector<1x320x768xf32>
      %swap3A_75 = vector.shape_cast %swap3A_74 : vector<1x320x768xf32> to vector<320x768xf32>
      %swap3A_76 = vector.shape_cast %add3A_71 : vector<320x768xf32> to vector<1x320x768xf32>
      tpu.vector_store %arg9[%swap3A, %swap3A_72, %swap3A_73], %swap3A_76 {strides = array<i32>} : memref<1x320x768xf32, #tpu.memory_space<vmem>>, vector<1x320x768xf32>,
    } else {
    }
    return
  }
  func.func @transform_0(%arg0: i32, %arg1: i32) -> (i32, i32) {
    %c0_i32 = arith.constant 0 : i32
    %c0_i32_0 = arith.constant 0 : i32
    %c0_i32_1 = arith.constant 0 : i32
    return %c0_i32, %c0_i32_0 : i32, i32
  }
  func.func @transform_1(%arg0: i32, %arg1: i32) -> (i32, i32) {
    %c0_i32 = arith.constant 0 : i32
    %c0_i32_0 = arith.constant 0 : i32
    %c0_i32_1 = arith.constant 0 : i32
    return %c0_i32, %c0_i32_0 : i32, i32
  }
  func.func @transform_2(%arg0: i32, %arg1: i32) -> (i32, i32) {
    %c0_i32 = arith.constant 0 : i32
    %c0_i32_0 = arith.constant 0 : i32
    %c0_i32_1 = arith.constant 0 : i32
    return %c0_i32, %c0_i32_0 : i32, i32
  }
  func.func @transform_3(%arg0: i32, %arg1: i32) -> (i32, i32, i32) {
    %c0_i32 = arith.constant 0 : i32
    %c0_i32_0 = arith.constant 0 : i32
    return %arg0, %c0_i32, %arg1 : i32, i32, i32
  }
  func.func @transform_4(%arg0: i32, %arg1: i32) -> (i32, i32, i32) {
    %c0_i32 = arith.constant 0 : i32
    %c0_i32_0 = arith.constant 0 : i32
    return %arg0, %c0_i32, %arg1 : i32, i32, i32
  }
  func.func @transform_5(%arg0: i32, %arg1: i32) -> (i32, i32, i32) {
    %c0_i32 = arith.constant 0 : i32
    %c0_i32_0 = arith.constant 0 : i32
    return %arg0, %arg1, %c0_i32 : i32, i32, i32
  }
  func.func @transform_6(%arg0: i32, %arg1: i32) -> (i32, i32, i32) {
    %c0_i32 = arith.constant 0 : i32
    %c0_i32_0 = arith.constant 0 : i32
    %c0_i32_1 = arith.constant 0 : i32
    return %arg0, %c0_i32, %c0_i32_0 : i32, i32, i32
  }
  func.func @transform_7(%arg0: i32, %arg1: i32) -> (i32, i32, i32) {
    %c0_i32 = arith.constant 0 : i32
    %c0_i32_0 = arith.constant 0 : i32
    %c0_i32_1 = arith.constant 0 : i32
    return %arg0, %c0_i32, %c0_i32_0 : i32, i32, i32
  }
}

module attributes {stable_mosaic.version = 14 : i64} {
  func.func @_combine_body(%arg0: i32, %arg1: memref<256x768xf32, #tpu.memory_space<vmem>>, %arg2: memref<256x768xf32, #tpu.memory_space<vmem>>, %arg3: memref<256x1xi32, #tpu.memory_space<vmem>>, %arg4: memref<256x1xf32, #tpu.memory_space<vmem>>, %arg5: memref<256x1xf32, #tpu.memory_space<vmem>>, %arg6: memref<2560x768xf32, #tpu.memory_space<vmem>>, %arg7: memref<256x768xf32, #tpu.memory_space<vmem>>) attributes {dimension_semantics = [#tpu.dimension_semantics<arbitrary>], iteration_bounds = array<i64: 8>, scalar_prefetch = 0 : i64, scratch_operands = 0 : i64, tpu.core_type = #tpu.core_type<tc>, window_params = [{transform_indices = @transform_0, window_bounds = array<i64: 256, 768>}, {transform_indices = @transform_1, window_bounds = array<i64: 256, 768>}, {transform_indices = @transform_2, window_bounds = array<i64: 256, 1>}, {transform_indices = @transform_3, window_bounds = array<i64: 256, 1>}, {transform_indices = @transform_4, window_bounds = array<i64: 256, 1>}, {pipeline_mode = #tpu.pipeline_mode<synchronous>, transform_indices = @transform_5, window_bounds = array<i64: 2560, 768>}, {transform_indices = @transform_6, window_bounds = array<i64: 256, 768>}]} {
    %iota3A = tpu.iota {dimensions = array<i32: 1>} : vector<256x2560xi32>
    %get3A = arith.constant 0 : index
    %get3A_0 = arith.constant 0 : index
    %get3A_1 = vector.load %arg3[%get3A, %get3A_0] : memref<256x1xi32, #tpu.memory_space<vmem>>, vector<256x1xi32>
    %eq3A = vector.broadcast %get3A_1 : vector<256x1xi32> to vector<256x2560xi32>
    %eq3A_2 = arith.cmpi eq, %eq3A, %iota3A : vector<256x2560xi32>
    %convert_element_type3A = arith.extui %eq3A_2 : vector<256x2560xi1> to vector<256x2560xi32>
    %convert_element_type3A_3 = arith.sitofp %convert_element_type3A : vector<256x2560xi32> to vector<256x2560xf32>
    %get3A_4 = arith.constant 0 : index
    %get3A_5 = arith.constant 0 : index
    %get3A_6 = vector.load %arg4[%get3A_4, %get3A_5] : memref<256x1xf32, #tpu.memory_space<vmem>>, vector<256x1xf32>
    %mul3A = vector.broadcast %get3A_6 : vector<256x1xf32> to vector<256x2560xf32>
    %mul3A_7 = arith.mulf %convert_element_type3A_3, %mul3A : vector<256x2560xf32>
    %get3A_8 = arith.constant 0 : index
    %get3A_9 = arith.constant 0 : index
    %get3A_10 = vector.load %arg6[%get3A_8, %get3A_9] : memref<2560x768xf32, #tpu.memory_space<vmem>>, vector<2560x768xf32>
    %dot_general3A = arith.constant dense<0.000000e+00> : vector<256x768xf32>
    %dot_general3A_11 = tpu.matmul %mul3A_7, %get3A_10, %dot_general3A {dimension_numbers = #tpu.dot_dimension_numbers<[1], [0], [0], [1], [0, 0, 1, 1], [], []>, precision = #tpu.contract_precision<fp32>, transpose_lhs_hint = false} : vector<256x2560xf32>, vector<2560x768xf32>, vector<256x768xf32> -> vector<256x768xf32>
    %get3A_12 = arith.constant 0 : index
    %get3A_13 = arith.constant 0 : index
    %get3A_14 = vector.load %arg4[%get3A_12, %get3A_13] : memref<256x1xf32, #tpu.memory_space<vmem>>, vector<256x1xf32>
    %gt3A = arith.constant 5.000000e-01 : f32
    %gt3A_15 = vector.broadcast %gt3A : f32 to vector<256x1xf32>
    %gt3A_16 = arith.cmpf ogt, %get3A_14, %gt3A_15 : vector<256x1xf32>
    %get3A_17 = arith.constant 0 : index
    %get3A_18 = arith.constant 0 : index
    %get3A_19 = vector.load %arg1[%get3A_17, %get3A_18] : memref<256x768xf32, #tpu.memory_space<vmem>>, vector<256x768xf32>
    %get3A_20 = arith.constant 0 : index
    %get3A_21 = arith.constant 0 : index
    %get3A_22 = vector.load %arg2[%get3A_20, %get3A_21] : memref<256x768xf32, #tpu.memory_space<vmem>>, vector<256x768xf32>
    %broadcast_in_dim3A = vector.shape_cast %gt3A_16 : vector<256x1xi1> to vector<256x1xi1>
    %broadcast_in_dim3A_23 = vector.broadcast %broadcast_in_dim3A : vector<256x1xi1> to vector<256x768xi1>
    %select_n3A = arith.select %broadcast_in_dim3A_23, %dot_general3A_11, %get3A_22 : vector<256x768xi1>, vector<256x768xf32>
    %get3A_24 = arith.constant 0 : index
    %get3A_25 = arith.constant 0 : index
    %get3A_26 = vector.load %arg5[%get3A_24, %get3A_25] : memref<256x1xf32, #tpu.memory_space<vmem>>, vector<256x1xf32>
    %mul3A_27 = vector.broadcast %get3A_26 : vector<256x1xf32> to vector<256x768xf32>
    %mul3A_28 = arith.mulf %select_n3A, %mul3A_27 : vector<256x768xf32>
    %add3A = arith.addf %get3A_19, %mul3A_28 : vector<256x768xf32>
    %swap3A = arith.constant 0 : index
    %swap3A_29 = arith.constant 0 : index
    %swap3A_30 = vector.load %arg7[%swap3A, %swap3A_29] : memref<256x768xf32, #tpu.memory_space<vmem>>, vector<256x768xf32>
    tpu.vector_store %arg7[%swap3A, %swap3A_29], %add3A {strides = array<i32>} : memref<256x768xf32, #tpu.memory_space<vmem>>, vector<256x768xf32>,
    return
  }
  func.func @transform_0(%arg0: i32) -> (i32, i32) {
    %c0_i32 = arith.constant 0 : i32
    %c0_i32_0 = arith.constant 0 : i32
    return %arg0, %c0_i32 : i32, i32
  }
  func.func @transform_1(%arg0: i32) -> (i32, i32) {
    %c0_i32 = arith.constant 0 : i32
    %c0_i32_0 = arith.constant 0 : i32
    return %arg0, %c0_i32 : i32, i32
  }
  func.func @transform_2(%arg0: i32) -> (i32, i32) {
    %c0_i32 = arith.constant 0 : i32
    %c0_i32_0 = arith.constant 0 : i32
    return %arg0, %c0_i32 : i32, i32
  }
  func.func @transform_3(%arg0: i32) -> (i32, i32) {
    %c0_i32 = arith.constant 0 : i32
    %c0_i32_0 = arith.constant 0 : i32
    return %arg0, %c0_i32 : i32, i32
  }
  func.func @transform_4(%arg0: i32) -> (i32, i32) {
    %c0_i32 = arith.constant 0 : i32
    %c0_i32_0 = arith.constant 0 : i32
    return %arg0, %c0_i32 : i32, i32
  }
  func.func @transform_5(%arg0: i32) -> (i32, i32) {
    %c0_i32 = arith.constant 0 : i32
    %c0_i32_0 = arith.constant 0 : i32
    %c0_i32_1 = arith.constant 0 : i32
    return %c0_i32, %c0_i32_0 : i32, i32
  }
  func.func @transform_6(%arg0: i32) -> (i32, i32) {
    %c0_i32 = arith.constant 0 : i32
    %c0_i32_0 = arith.constant 0 : i32
    return %arg0, %c0_i32 : i32, i32
  }
}

module attributes {stable_mosaic.version = 14 : i64} {
  func.func @_mm_body(%arg0: i32, %arg1: memref<256x768xf32, #tpu.memory_space<vmem>>, %arg2: memref<768x768xf32, #tpu.memory_space<vmem>>, %arg3: memref<1x768xf32, #tpu.memory_space<vmem>>, %arg4: memref<256x768xf32, #tpu.memory_space<vmem>>) attributes {dimension_semantics = [#tpu.dimension_semantics<arbitrary>], iteration_bounds = array<i64: 8>, scalar_prefetch = 0 : i64, scratch_operands = 0 : i64, tpu.core_type = #tpu.core_type<tc>, window_params = [{transform_indices = @transform_0, window_bounds = array<i64: 256, 768>}, {pipeline_mode = #tpu.pipeline_mode<synchronous>, transform_indices = @transform_1, window_bounds = array<i64: 768, 768>}, {pipeline_mode = #tpu.pipeline_mode<synchronous>, transform_indices = @transform_2, window_bounds = array<i64: 1, 768>}, {transform_indices = @transform_3, window_bounds = array<i64: 256, 768>}]} {
    %get3A = arith.constant 0 : index
    %get3A_0 = arith.constant 0 : index
    %get3A_1 = vector.load %arg1[%get3A, %get3A_0] : memref<256x768xf32, #tpu.memory_space<vmem>>, vector<256x768xf32>
    %get3A_2 = arith.constant 0 : index
    %get3A_3 = arith.constant 0 : index
    %get3A_4 = vector.load %arg2[%get3A_2, %get3A_3] : memref<768x768xf32, #tpu.memory_space<vmem>>, vector<768x768xf32>
    %slice3A = vector.extract_strided_slice %get3A_1 {offsets = [0, 0], sizes = [256, 256], strides = [1, 1]} : vector<256x768xf32> to vector<256x256xf32>
    %slice3A_5 = vector.extract_strided_slice %get3A_4 {offsets = [0, 0], sizes = [256, 768], strides = [1, 1]} : vector<768x768xf32> to vector<256x768xf32>
    %dot_general3A = arith.constant dense<0.000000e+00> : vector<256x768xf32>
    %dot_general3A_6 = tpu.matmul %slice3A, %slice3A_5, %dot_general3A {dimension_numbers = #tpu.dot_dimension_numbers<[1], [0], [0], [1], [0, 0, 1, 1], [], []>, transpose_lhs_hint = false} : vector<256x256xf32>, vector<256x768xf32>, vector<256x768xf32> -> vector<256x768xf32>
    %slice3A_7 = vector.extract_strided_slice %get3A_1 {offsets = [0, 256], sizes = [256, 256], strides = [1, 1]} : vector<256x768xf32> to vector<256x256xf32>
    %slice3A_8 = vector.extract_strided_slice %get3A_4 {offsets = [256, 0], sizes = [256, 768], strides = [1, 1]} : vector<768x768xf32> to vector<256x768xf32>
    %dot_general3A_9 = arith.constant dense<0.000000e+00> : vector<256x768xf32>
    %dot_general3A_10 = tpu.matmul %slice3A_7, %slice3A_8, %dot_general3A_9 {dimension_numbers = #tpu.dot_dimension_numbers<[1], [0], [0], [1], [0, 0, 1, 1], [], []>, transpose_lhs_hint = false} : vector<256x256xf32>, vector<256x768xf32>, vector<256x768xf32> -> vector<256x768xf32>
    %add3A = arith.addf %dot_general3A_6, %dot_general3A_10 : vector<256x768xf32>
    %slice3A_11 = vector.extract_strided_slice %get3A_1 {offsets = [0, 512], sizes = [256, 256], strides = [1, 1]} : vector<256x768xf32> to vector<256x256xf32>
    %slice3A_12 = vector.extract_strided_slice %get3A_4 {offsets = [512, 0], sizes = [256, 768], strides = [1, 1]} : vector<768x768xf32> to vector<256x768xf32>
    %dot_general3A_13 = arith.constant dense<0.000000e+00> : vector<256x768xf32>
    %dot_general3A_14 = tpu.matmul %slice3A_11, %slice3A_12, %dot_general3A_13 {dimension_numbers = #tpu.dot_dimension_numbers<[1], [0], [0], [1], [0, 0, 1, 1], [], []>, transpose_lhs_hint = false} : vector<256x256xf32>, vector<256x768xf32>, vector<256x768xf32> -> vector<256x768xf32>
    %add3A_15 = arith.addf %add3A, %dot_general3A_14 : vector<256x768xf32>
    %get3A_16 = arith.constant 0 : index
    %get3A_17 = arith.constant 0 : index
    %get3A_18 = vector.load %arg3[%get3A_16, %get3A_17] : memref<1x768xf32, #tpu.memory_space<vmem>>, vector<1x768xf32>
    %add3A_19 = vector.broadcast %get3A_18 : vector<1x768xf32> to vector<256x768xf32>
    %add3A_20 = arith.addf %add3A_15, %add3A_19 : vector<256x768xf32>
    %swap3A = arith.constant 0 : index
    %swap3A_21 = arith.constant 0 : index
    %swap3A_22 = vector.load %arg4[%swap3A, %swap3A_21] : memref<256x768xf32, #tpu.memory_space<vmem>>, vector<256x768xf32>
    tpu.vector_store %arg4[%swap3A, %swap3A_21], %add3A_20 {strides = array<i32>} : memref<256x768xf32, #tpu.memory_space<vmem>>, vector<256x768xf32>,
    return
  }
  func.func @transform_0(%arg0: i32) -> (i32, i32) {
    %c0_i32 = arith.constant 0 : i32
    %c0_i32_0 = arith.constant 0 : i32
    return %arg0, %c0_i32 : i32, i32
  }
  func.func @transform_1(%arg0: i32) -> (i32, i32) {
    %c0_i32 = arith.constant 0 : i32
    %c0_i32_0 = arith.constant 0 : i32
    %c0_i32_1 = arith.constant 0 : i32
    return %c0_i32, %c0_i32_0 : i32, i32
  }
  func.func @transform_2(%arg0: i32) -> (i32, i32) {
    %c0_i32 = arith.constant 0 : i32
    %c0_i32_0 = arith.constant 0 : i32
    %c0_i32_1 = arith.constant 0 : i32
    return %c0_i32, %c0_i32_0 : i32, i32
  }
  func.func @transform_3(%arg0: i32) -> (i32, i32) {
    %c0_i32 = arith.constant 0 : i32
    %c0_i32_0 = arith.constant 0 : i32
    return %arg0, %c0_i32 : i32, i32
  }
}

</mosaic_0001>

<sc_bundles>
// kernel: kernel.12.cloned.1.call-start
scs
__scs_entry_jumppad:
0x0: {  	(pc) =	sbr.rel $0x88, $3  }
0x1: {  	(tag) =	ssettag $0x0;
	lr =	simm.s32 $0x1  }
0x2: {  	[smem:$0x3F89] =	sst lr;
	_ =	strace $0xD0000000  }
0x3: {  	_ = 	snop  }
0x4: {  	_ = 	snop  }
0x5: {  	_ = 	snop  }
0x6: {  	_ = 	snop  }
0x7: {  	_ = 	snop  }
__scs_overlays_trampoline_lowered:
0x8: {  	[smem:$0x3F98] =	sst s0  }
0x9: {  	[smem:$0x3F99] =	sst s1  }
0xa: {  	[smem:$0x3F9A] =	sst s2  }
0xb: {  	[smem:$0x3F9B] =	sst s3  }
0xc: {  	[smem:$0x3F9C] =	sst s4  }
0xd: {  	[smem:$0x3F9D] =	sst s5  }
0xe: {  	[smem:$0x3F9E] =	sst s6  }
0xf: {  	[smem:$0x3F9F] =	sst s7  }
0x10: {  	[smem:$0x3FA0] =	sst s8  }
0x11: {  	[smem:$0x3FA1] =	sst s9;
	s0 =	simm.s32 @!p0 $0x0  }
0x12: {  	s1 =	sld [smem:$0x3F87];
	s0 =	simm.s32 @p0 $0x1  }
0x13: {  	[smem:$0x3FA2] =	sst s0;
	s0 =	simm.s32 @!p1 $0x0  }
0x14: {  	s2 =	sld [smem:$0x3F86];
	s0 =	simm.s32 @p1 $0x1  }
0x15: {  	[smem:$0x3FA3] =	sst s0;
	s0 =	simm.s32 @!p2 $0x0  }
0x16: {  	s3 =	sld [smem:$0x3FDB];
	s0 =	simm.s32 @p2 $0x1  }
0x17: {  	s4 =	simm.s32 $0x1BF5;
	[smem:$0x3FA5] =	sst s0  }
0x18: {  	s0 =	sld [smem:$0x3F88];
	_ =	swait.ge [sflag:s4], $0x0  }
0x19: {  	s7 =	sld [smem:$0x3F89]  }
0x1a: {  	s8 =	sadd.s32 $0xFFFFE003, lr  }
0x1b: {  	s9 =	sadd.s32 $0xFFFFFEF7, lr;
	s5 =	simm.s32 $0xFFFFFFFF;
	p2 =	slt.u32 s8, $0xFFFFF086  }
0x1c: {  	p1 =	slt.u32 s9, $0xF7A;
	s5 =	simm.s32 @!p2 $0x0  }
0x1d: {  	s5 =	simm.s32 @p1 $0x1;
	p0 =	seq.s32 s7, s2  }
0x1e: {  	s7 =	smul.u32 @!p0 $0xF7A, s2;
	p2 =	seq.s32 @!p0 s5, $0x0  }
0x1f: {  	s9 =	smul.u32 $0xF7A, s1;
	s8 =	simm.s32 @!p0 $0x1BF5;
	p2 =	por !p2, p0  }
0x20: {  	[sflag:s8] =	ssyncset.s32 @!p0 $0xFFFFF086;
	s6 =	sadd.s32 @!p0 s3, s7;
	s7 =	simm.s32 @!p0 $0x108  }
0x21: {  	s3 =	sadd.s32 s3, s9;
	s6 =	sadd.s32 @!p0 $0x88, s6;
	s7 =	simm.s32 @p2 $0x1082  }
0x22: {  	[simem:s7], [sflag:s8] =	dma.local @!p0 [hbm:s6], $0xF7A  }
0x23: {  	s9 =	sor.u32 $0xD0000000, s2;
	s6 =	simm.s32 $0x108;
	_ =	swait.ge @!p0 [sflag:s8], $0x0  }
0x24: {  	s3 =	sadd.s32 $0x88, s3;
	s6 =	simm.s32 @!p1 $0x1082;
	[sflag:s4] =	ssyncset.s32 $0xFFFFF086  }
0x25: {  	[simem:s6], [sflag:s4] =	dma.local [hbm:s3], $0xF7A  }
0x26: {  	[smem:$0x3F89] =	sst s1;
	(tag) =	ssettag s2;
	_ =	strace s9  }
0x27: {  	s1 =	sld [smem:$0x3F99]  }
0x28: {  	s2 =	sld [smem:$0x3F9A]  }
0x29: {  	s4 =	sld [smem:$0x3F9C]  }
0x2a: {  	p0 =	seq.s32 s5, $0x0;
	s5 =	sld [smem:$0x3F9D]  }
0x2b: {  	s6 =	sld [smem:$0x3F9E]  }
0x2c: {  	s7 =	sld [smem:$0x3F9F]  }
0x2d: {  	s3 =	simm.s32 $0x108;
	s8 =	sld [smem:$0x3FA0]  }
0x2e: {  	s3 =	simm.s32 @!p0 $0x1082;
	s9 =	sld [smem:$0x3FA1]  }
0x2f: {  	lr =	sadd.s32 s0, s3;
	s0 =	sld [smem:$0x3F98]  }
0x30: {  	s3 =	sld [smem:$0x3F9B]  }
0x31: {  	[smem:$0x3FA4] =	sst s10  }
0x32: {  	s10 =	sld [smem:$0x3FA2];
	_ =	sdelay $0x3  }
0x33: {  	p0 =	seq.s32 s10, $0x1;
	s10 =	sld [smem:$0x3FA4];
	_ =	sdelay $0x3  }
0x34: {  	[smem:$0x3FA4] =	sst s10  }
0x35: {  	s10 =	sld [smem:$0x3FA3];
	_ =	sdelay $0x3  }
0x36: {  	p1 =	seq.s32 s10, $0x1;
	s10 =	sld [smem:$0x3FA4];
	_ =	sdelay $0x3  }
0x37: {  	[smem:$0x3FA4] =	sst s10  }
0x38: {  	s10 =	sld [smem:$0x3FA5]  }
0x39: {  	_ = 	snop;
	(pc) =	sbr.ind lr, $3  }
0x3a: {  	_ = 	snop  }
0x3b: {  	_ = 	snop  }
0x3c: {  	p2 =	seq.s32 s10, $0x1;
	s10 =	sld [smem:$0x3FA4]  }
0x3d: {  	_ =	shalt  }
0x3e: {  	_ =	shalt  }
0x3f: {  	_ =	shalt  }
0x40: {  	_ =	shalt  }
0x41: {  	_ =	shalt  }
0x42: {  	_ =	shalt  }
0x43: {  	_ =	shalt  }
0x44: {  	_ =	shalt  }
0x45: {  	_ =	shalt  }
0x46: {  	_ =	shalt  }
0x47: {  	_ =	shalt  }
0x48: {  	_ =	shalt  }
0x49: {  	_ =	shalt  }
0x4a: {  	_ =	shalt  }
0x4b: {  	_ =	shalt  }
0x4c: {  	_ =	shalt  }
0x4d: {  	_ =	shalt  }
0x4e: {  	_ =	shalt  }
0x4f: {  	_ =	shalt  }
0x50: {  	_ =	shalt  }
0x51: {  	_ =	shalt  }
0x52: {  	_ =	shalt  }
0x53: {  	_ =	shalt  }
0x54: {  	_ =	shalt  }
0x55: {  	_ =	shalt  }
0x56: {  	_ =	shalt  }
0x57: {  	_ =	shalt  }
0x58: {  	_ =	shalt  }
0x59: {  	_ =	shalt  }
0x5a: {  	_ =	shalt  }
0x5b: {  	_ =	shalt  }
0x5c: {  	_ =	shalt  }
0x5d: {  	_ =	shalt  }
0x5e: {  	_ =	shalt  }
0x5f: {  	_ =	shalt  }
0x60: {  	_ =	shalt  }
0x61: {  	_ =	shalt  }
0x62: {  	_ =	shalt  }
0x63: {  	_ =	shalt  }
0x64: {  	_ =	shalt  }
0x65: {  	_ =	shalt  }
0x66: {  	_ =	shalt  }
0x67: {  	_ =	shalt  }
0x68: {  	_ =	shalt  }
0x69: {  	_ =	shalt  }
0x6a: {  	_ =	shalt  }
0x6b: {  	_ =	shalt  }
0x6c: {  	_ =	shalt  }
0x6d: {  	_ =	shalt  }
0x6e: {  	_ =	shalt  }
0x6f: {  	_ =	shalt  }
0x70: {  	_ =	shalt  }
0x71: {  	_ =	shalt  }
0x72: {  	_ =	shalt  }
0x73: {  	_ =	shalt  }
0x74: {  	_ =	shalt  }
0x75: {  	_ =	shalt  }
0x76: {  	_ =	shalt  }
0x77: {  	_ =	shalt  }
0x78: {  	_ =	shalt  }
0x79: {  	_ =	shalt  }
0x7a: {  	_ =	shalt  }
0x7b: {  	_ =	shalt  }
0x7c: {  	_ =	shalt  }
0x7d: {  	_ =	shalt  }
0x7e: {  	_ =	shalt  }
0x7f: {  	_ =	shalt  }
0x80: {  	_ =	shalt  }
0x81: {  	_ =	shalt  }
0x82: {  	_ =	shalt  }
0x83: {  	_ =	shalt  }
0x84: {  	_ =	shalt  }
0x85: {  	_ =	shalt  }
0x86: {  	_ =	shalt  }
0x87: {  	_ =	shalt  }
.Lfunc_end0:
.L_simem_size_0:
called_computation_lowered:
.L_overlay_start_0:
0x88: {  	s2 =	sld [smem:$0x3FD9]  }
0x89: {  	s3 =	sld [smem:$0x3FFE];
	_ =	sdelay $0x1  }
0x8a: {  	s1 =	srdreg.scid  }
0x8b: {  	s0 =	sand.u32 $0x1, s1  }
0x8c: {  	s18 =	sshll.u32 s0, $0xA;
	s2 =	sadd.s32 s3, s2  }
0x8d: {  	s2 =	sadd.s32 s2, s18  }
0x8e: {  	[smem:$0x3FB0] =	sst s2  }
0x8f: {  	_ = 	snop  }
0x90: {  	s2 =	sld [smem:$0x3FC9]  }
0x91: {  	s19 =	sld [smem:$0x3FC8]  }
0x92: {  	s4 =	sld [smem:$0x3FD0];
	(tm) =	ssettm $0x1  }
0x93: {  	s5 =	sld [smem:$0x3FFB];
	_ =	sdelay $0x3  }
0x94: {  	_ =	strace s5  }
0x95: {  	s5 =	sld [smem:$0x3FFC];
	_ =	sdelay $0x3  }
0x96: {  	_ =	strace s5  }
0x97: {  	s5 =	sld [smem:$0x3FFD];
	_ =	sdelay $0x3  }
0x98: {  	_ =	strace s5  }
0x99: {  	_ =	strace $0x8FFFFFFF  }
0x9a: {  	s20 =	sld [smem:$0x3FDB];
	_ =	sdelay $0x1  }
0x9b: {  	s6 =	simm.s32 $_scs_section_size  }
0x9c: {  	s7 =	simm.s32 $_size__tile_overlayer_lowered;
	s8 =	simm.s32 $_tile_overlayer_lowered  }
0x9d: {  	s23 =	simm.s32 $0x1BFF;
	s22 =	sshll.u32 s8, $0x1;
	s5 =	sadd.s32 s6, s20  }
0x9e: {  	s9 =	simm.s32 $0x0;
	s21 =	sshll.u32 s7, $0x1;
	s7 =	sadd.s32 s22, s5  }
0x9f: {  	[timem:s9], [sflag:s23] =	dma.local [hbm:s7], s21  }
0xa0: {  	_ =	swait.ge [sflag:s23], s21  }
0xa1: {  	s6 =	ssub.s32 $0x0, s21;
	[sflag:s23] =	ssyncset.done $0x0  }
0xa2: {  	[sflag:s23] =	ssyncadd.s32 s6;
	_ =	sdelay $0x1  }
0xa3: {  	s24 =	simm.s32 $0x1B8B  }
0xa4: {  	_ =	swait.ge [sflag:s24], $0x1  }
0xa5: {  	[sflag:s24] =	ssyncset.done $0x0  }
0xa6: {  	s25 =	simm.s32 $0x1B8E;
	[sflag:s24] =	ssyncadd.s32 $0xFFFFFFFF  }
0xa7: {  	s26 =	simm.s32 $execute0_lowered;
	[smem:$0x3FD2] =	sst s25  }
0xa8: {  	s6 =	sshll.u32 s26, $0x1;
	_ =	strace $0x80000046;
	[dreg:$0x1] =	wrdreg $0xFFFFFFFF  }
0xa9: {  	s28 =	simm.s32 $_size_execute0_lowered;
	s5 =	sadd.s32 s5, s6;
	[dreg:$0x0] =	wrdreg $0x0  }
0xaa: {  	s6 =	sshll.u32 s28, $0x1;
	[dreg:$0x2] =	wrdreg s5  }
0xab: {  	[dreg:$0x3] =	wrdreg s6  }
0xac: {  	[dreg:$0x4] =	wrdreg $0xC0  }
0xad: {  	_ =	task [dreg:s9], $0x5FFFF  }
0xae: {  	[dreg:$0x1] =	wrdreg $0xFFFFFFFF  }
0xaf: {  	[dreg:$0x0] =	wrdreg $0x60  }
0xb0: {  	[dreg:$0x2] =	wrdreg s2  }
0xb1: {  	[dreg:$0x3] =	wrdreg s19  }
0xb2: {  	[dreg:$0x4] =	wrdreg s4  }
0xb3: {  	[dreg:$0x5] =	wrdreg $0x9  }
0xb4: {  	_ =	task.clear_ibuf [dreg:s9], $0x6FFFF;
	_ =	strace $0x90000046  }
0xb5: {  	s29 =	simm.s32 $0x9;
	_ =	strace $0x80000048  }
0xb6: {  	_ =	swait.ge [sflag:s29], $0x1  }
0xb7: {  	[sflag:s29] =	ssyncadd.s32 $0xFFFFFFFF  }
0xb8: {  	_ =	strace $0x90000048  }
0xb9: {  	_ =	sfence  }
0xba: {  	s30 =	sld [smem:$0x0];
	_ =	sdelay $0x2  }
0xbb: {  	s31 =	sshll.u32 s1, $0xD;
	s1 =	sshrl.u32 s1, $0x2  }
0xbc: {  	s3 =	sand.u32 $0x4000, s31;
	s1 =	sadd.s32 s1, s30  }
0xbd: {  	s0 =	sor.u32 s3, s0;
	s1 =	sshll.u32 s1, $0x11  }
0xbe: {  	s0 =	sor.u32 s1, s0  }
0xbf: {  	s0 =	sadd.s32 $0x8F2B, s0  }
0xc0: {  	[sflag:s0] =	ssyncadd.remote.s32 $0x1  }
0xc1: {  	_ =	sfence.sel $0xFFFF  }
0xc2: {  	[dreg:$0x0] =	wrdreg $0xFFFFFFFF;
	(pc) =	sbr.abs _section_cstart, $3  }
0xc3: {  	[dreg:$0x1] =	wrdreg $0xFFFFFFFF  }
0xc4: {  	_ =	task.clear_ibuf [dreg:s9], $0x2FFFF;
	_ =	strace $0x9FFFFFFF  }
0xc5: {  	(tm) =	ssettm $0x7FFFFFFF  }
tec
execute0_lowered:
.L_overlay_start_1:
0x0: {  	(tag) =	ssettag $0x1  }
0x1: {  	s0 =	rddreg [dreg:$0x0]  }
0x2: {  	s2 =	rddreg [dreg:$0x1];
	s3 =	srdreg.scid  }
0x3: {  	s5 =	rddreg [dreg:$0x2];
	s1 =	stileid.u32  }
0x4: {  	s26 =	simm.s32 $0x880;
	s9 =	simm.s32 $0x1080;
	s10 =	simm.s32 $0x1880  }
0x5: {  	s11 =	simm.s32 $0x2080;
	s12 =	simm.s32 $0x2880;
	s13 =	simm.s32 $0x3080  }
0x6: {  	s14 =	simm.s32 $0x3880;
	s15 =	simm.s32 $0x4080;
	s16 =	simm.s32 $0x4880  }
0x7: {  	s17 =	simm.s32 $0x5080;
	s18 =	simm.s32 $0x5880;
	s19 =	simm.s32 $0x6080  }
0x8: {  	s20 =	simm.s32 $0x6880;
	s21 =	simm.s32 $0x7080;
	s22 =	simm.s32 $0x7880  }
0x9: {  	s23 =	simm.s32 $0x8080;
	s28 =	simm.s32 $0xA080;
	s29 =	simm.s32 $0xA880  }
0xa: {  	s30 =	simm.s32 $0xB080;
	s31 =	simm.s32 $0xB880;
	s4 =	sand.u32 $0x1, s3  }
0xb: {  	s6 =	sshll.u32 s1, $0x4;
	s3 =	simm.s32 $0x0;
	s7 =	sshll.u32 s4, $0x3  }
0xc: {  	s4 =	ssub.s32 $0x2, s4;
	[smem:$0x7FF] =	sst s3;
	s6 =	sor.u32 s7, s6  }
0xd: {  	s24 =	sshrl.u32 s4, $0x1;
	_ =	strace $0x80000047;
	[dreg:$0x6] =	wrdreg s26  }
0xe: {  	s26 =	simm.s32 $0x9880;
	s8 =	smul.u32 $0x300, s6;
	s7 =	ssub.s32 s4, s24  }
0xf: {  	s0 =	sadd.s32 s0, s6;
	s4 =	sadd.s32 $0x100, s2;
	s24 =	simm.s32 $0x8880  }
0x10: {  	v2 =	vlaneseq.u32;
	[dreg:$0x4] =	wrdreg s0;
	s6 =	smax.u32 s7, $0x1;
	s7 =	simm.s32 $0x2  }
0x11: {  	vm0 =	vmmov $0xffff;
	v1 =	vshrl.u32 v2, $0x3;
	s0 =	simm.s32 $0x1;
	s25 =	sadd.s32 s5, s8;
	s5 =	sadd.s32 $0x200, s2  }
0x12: {  	v0 =	vand.u32 $0x7, v2;
	v2 =	vor.u32 $0x8, v2;
	v1 =	vmul.u32 $0x8, v1;
	s8 =	simm.s32 $0x80;
	[dreg:$0x5] =	wrdreg s25;
	s25 =	simm.s32 $0x9080  }
.LBB2_1:
0x13: {  	s1 =	rddreg [dreg:$0x4]  }
0x14: {  	[tilespmem:s3], [sflag:$0x2] =	stream.linear.gather [hbm4b:s1+s3], $0x40, $0x38;
	[tilespmem:$0xC080] =	vst v63  }
0x15: {  	_ =	swait.ge [sflag:s7], $0x40  }
0x16: {  	[sflag:s7] =	ssyncset.done $0x0  }
0x17: {  	[sflag:s7] =	ssyncadd.s32 $0xFFFFFFC0  }
0x18: {  	v3 =	vld [tilespmem:$0x0];
	_ =	sdelay $0x4  }
0x19: {  	v4 =	vshrl.u32 v3, $0x3  }
0x1a: {  	v4 =	vmul.u32 $0x30, v4  }
0x1b: {  	v3 =	vand.u32 $0x7, v3  }
0x1c: {  	v3 =	vor.u32 v3, v4  }
0x1d: {  	v4 =	vperm.xlane v3, v0;
	_ =	sdelay $0x1  }
0x1e: {  	v4 =	vadd.s32 v1, v4;
	_ =	sdelay $0x3  }
0x1f: {  	v3 =	vperm.xlane v3, v2  }
0x20: {  	[tilespmem:s8], [sflag:$0x1] =	stream.indirect_vreg.gather [hbm4b:s2+s3], $0x80, v4, vm0, $0xb8;
	[tilespmem:$0xC080] =	vst v63  }
0x21: {  	s1 =	rddreg [dreg:$0x6];
	v3 =	vadd.s32 v1, v3  }
0x22: {  	[tilespmem:s1], [sflag:$0x1] =	stream.indirect_vreg.gather [hbm4b:s4+s3], $0x80, v4, vm0, $0xb8;
	[tilespmem:$0xC080] =	vst v63  }
0x23: {  	_ = 	snop  }
0x24: {  	[tilespmem:s9], [sflag:$0x1] =	stream.indirect_vreg.gather [hbm4b:s5+s3], $0x80, v4, vm0, $0xb8;
	[tilespmem:$0xC080] =	vst v63  }
0x25: {  	_ = 	snop  }
0x26: {  	[tilespmem:s10], [sflag:$0x1] =	stream.indirect_vreg.gather [hbm4b:s2+s3], $0x80, v3, vm0, $0xb8;
	[tilespmem:$0xC080] =	vst v63  }
0x27: {  	_ = 	snop  }
0x28: {  	[tilespmem:s11], [sflag:$0x1] =	stream.indirect_vreg.gather [hbm4b:s4+s3], $0x80, v3, vm0, $0xb8;
	[tilespmem:$0xC080] =	vst v63  }
0x29: {  	_ = 	snop  }
0x2a: {  	[tilespmem:s12], [sflag:$0x1] =	stream.indirect_vreg.gather [hbm4b:s5+s3], $0x80, v3, vm0, $0xb8;
	[tilespmem:$0xC080] =	vst v63  }
0x2b: {  	v3 =	vld [tilespmem:$0x10];
	_ =	sdelay $0x4  }
0x2c: {  	v61 =	vshrl.u32 v3, $0x3  }
0x2d: {  	v4 =	vmul.u32 $0x30, v61  }
0x2e: {  	v3 =	vand.u32 $0x7, v3  }
0x2f: {  	v3 =	vor.u32 v3, v4  }
0x30: {  	v4 =	vperm.xlane v3, v0;
	_ =	sdelay $0x1  }
0x31: {  	v4 =	vadd.s32 v1, v4;
	_ =	sdelay $0x3  }
0x32: {  	v3 =	vperm.xlane v3, v2  }
0x33: {  	[tilespmem:s13], [sflag:$0x1] =	stream.indirect_vreg.gather [hbm4b:s2+s3], $0x80, v4, vm0, $0xb8;
	[tilespmem:$0xC080] =	vst v63  }
0x34: {  	v3 =	vadd.s32 v1, v3  }
0x35: {  	[tilespmem:s14], [sflag:$0x1] =	stream.indirect_vreg.gather [hbm4b:s4+s3], $0x80, v4, vm0, $0xb8;
	[tilespmem:$0xC080] =	vst v63  }
0x36: {  	_ = 	snop  }
0x37: {  	[tilespmem:s15], [sflag:$0x1] =	stream.indirect_vreg.gather [hbm4b:s5+s3], $0x80, v4, vm0, $0xb8;
	[tilespmem:$0xC080] =	vst v63  }
0x38: {  	_ = 	snop  }
0x39: {  	[tilespmem:s16], [sflag:$0x1] =	stream.indirect_vreg.gather [hbm4b:s2+s3], $0x80, v3, vm0, $0xb8;
	[tilespmem:$0xC080] =	vst v63  }
0x3a: {  	_ = 	snop  }
0x3b: {  	[tilespmem:s17], [sflag:$0x1] =	stream.indirect_vreg.gather [hbm4b:s4+s3], $0x80, v3, vm0, $0xb8;
	[tilespmem:$0xC080] =	vst v63  }
0x3c: {  	_ = 	snop  }
0x3d: {  	[tilespmem:s18], [sflag:$0x1] =	stream.indirect_vreg.gather [hbm4b:s5+s3], $0x80, v3, vm0, $0xb8;
	[tilespmem:$0xC080] =	vst v63  }
0x3e: {  	v3 =	vld [tilespmem:$0x20];
	_ =	sdelay $0x4  }
0x3f: {  	v62 =	vshrl.u32 v3, $0x3  }
0x40: {  	v4 =	vmul.u32 $0x30, v62  }
0x41: {  	v3 =	vand.u32 $0x7, v3  }
0x42: {  	v3 =	vor.u32 v3, v4  }
0x43: {  	v4 =	vperm.xlane v3, v0;
	_ =	sdelay $0x1  }
0x44: {  	v4 =	vadd.s32 v1, v4;
	_ =	sdelay $0x3  }
0x45: {  	v3 =	vperm.xlane v3, v2  }
0x46: {  	[tilespmem:s19], [sflag:$0x1] =	stream.indirect_vreg.gather [hbm4b:s2+s3], $0x80, v4, vm0, $0xb8;
	[tilespmem:$0xC080] =	vst v63  }
0x47: {  	v3 =	vadd.s32 v1, v3  }
0x48: {  	[tilespmem:s20], [sflag:$0x1] =	stream.indirect_vreg.gather [hbm4b:s4+s3], $0x80, v4, vm0, $0xb8;
	[tilespmem:$0xC080] =	vst v63  }
0x49: {  	_ = 	snop  }
0x4a: {  	[tilespmem:s21], [sflag:$0x1] =	stream.indirect_vreg.gather [hbm4b:s5+s3], $0x80, v4, vm0, $0xb8;
	[tilespmem:$0xC080] =	vst v63  }
0x4b: {  	_ = 	snop  }
0x4c: {  	[tilespmem:s22], [sflag:$0x1] =	stream.indirect_vreg.gather [hbm4b:s2+s3], $0x80, v3, vm0, $0xb8;
	[tilespmem:$0xC080] =	vst v63  }
0x4d: {  	_ = 	snop  }
0x4e: {  	[tilespmem:s23], [sflag:$0x1] =	stream.indirect_vreg.gather [hbm4b:s4+s3], $0x80, v3, vm0, $0xb8;
	[tilespmem:$0xC080] =	vst v63  }
0x4f: {  	_ = 	snop  }
0x50: {  	[tilespmem:s24], [sflag:$0x1] =	stream.indirect_vreg.gather [hbm4b:s5+s3], $0x80, v3, vm0, $0xb8;
	[tilespmem:$0xC080] =	vst v63  }
0x51: {  	v3 =	vld [tilespmem:$0x30];
	_ =	sdelay $0x4  }
0x52: {  	v63 =	vshrl.u32 v3, $0x3  }
0x53: {  	v4 =	vmul.u32 $0x30, v63  }
0x54: {  	v3 =	vand.u32 $0x7, v3  }
0x55: {  	v3 =	vor.u32 v3, v4  }
0x56: {  	v4 =	vperm.xlane v3, v0;
	_ =	sdelay $0x1  }
0x57: {  	v4 =	vadd.s32 v1, v4;
	_ =	sdelay $0x3  }
0x58: {  	v3 =	vperm.xlane v3, v2  }
0x59: {  	[tilespmem:s25], [sflag:$0x1] =	stream.indirect_vreg.gather [hbm4b:s2+s3], $0x80, v4, vm0, $0xb8;
	[tilespmem:$0xC080] =	vst v63  }
0x5a: {  	v3 =	vadd.s32 v1, v3  }
0x5b: {  	[tilespmem:s26], [sflag:$0x1] =	stream.indirect_vreg.gather [hbm4b:s4+s3], $0x80, v4, vm0, $0xb8;
	[tilespmem:$0xC080] =	vst v63  }
0x5c: {  	_ = 	snop  }
0x5d: {  	[tilespmem:s28], [sflag:$0x1] =	stream.indirect_vreg.gather [hbm4b:s5+s3], $0x80, v4, vm0, $0xb8;
	[tilespmem:$0xC080] =	vst v63  }
0x5e: {  	_ = 	snop  }
0x5f: {  	[tilespmem:s29], [sflag:$0x1] =	stream.indirect_vreg.gather [hbm4b:s2+s3], $0x80, v3, vm0, $0xb8;
	[tilespmem:$0xC080] =	vst v63  }
0x60: {  	_ = 	snop  }
0x61: {  	[tilespmem:s30], [sflag:$0x1] =	stream.indirect_vreg.gather [hbm4b:s4+s3], $0x80, v3, vm0, $0xb8;
	[tilespmem:$0xC080] =	vst v63  }
0x62: {  	_ = 	snop  }
0x63: {  	[tilespmem:s31], [sflag:$0x1] =	stream.indirect_vreg.gather [hbm4b:s5+s3], $0x80, v3, vm0, $0xb8;
	[tilespmem:$0xC080] =	vst v63  }
0x64: {  	_ =	swait.ge [sflag:s0], $0xC000  }
0x65: {  	p0 =	sne.s32 s6, $0x1;
	[sflag:s0] =	ssyncset.done $0x0  }
.Ltmp0:
0x66: {  	s1 =	rddreg [dreg:$0x5];
	[sflag:s0] =	ssyncadd.s32 $0xFFFF4000;
	(pc) =	sbr.rel @p0 .LBB2_1-.Ltmp0, $4  }
0x67: {  	[hbm4b:s1+s3] =	stream.linear.scatter [tilespmem:s8], [sflag:$0x2], $0xC000, $0x38;
	[tilespmem:$0xC080] =	vst v63  }
0x68: {  	_ =	swait.ge [sflag:s7], $0xC000  }
0x69: {  	[sflag:s7] =	ssyncset.done $0x0  }
0x6a: {  	s6 =	sadd.s32 $0xFFFFFFFF, s6;
	[sflag:s7] =	ssyncadd.s32 $0xFFFF4000  }
0x6b: {  	_ =	sfence.sel $0x180000  }
0x6c: {  	[bflag:$0x0] =	sbarrier.arrive $0xFFFF  }
0x6d: {  	_ =	strace $0x90000047  }
0x6e: {  	s0 =	stileid.u32;
	[bflag:$0x2] =	sbarrier.arrive $0xFFFF  }
0x6f: {  	p0 =	sne.s32 s0, $0x0;
	s0 =	rddreg [dreg:$0x3]  }
0x70: {  	s0 =	sadd.s32 @!p0 $0x100000, s0  }
0x71: {  	[sflag:s0] =	ssyncadd.tile.s32 @!p0 $0x1;
	_ =	shalt  }
.Lfunc_end2:
_tile_overlayer_lowered:
.L_overlay_start_2:
0x72: {  	(tag) =	ssettag $0x2  }
0x73: {  	s0 =	rddreg [dreg:$0x0];
	s2 =	stileid.u32  }
0x74: {  	s1 =	rddreg [dreg:$0x1];
	p0 =	sne.s32 s2, $0x0  }
0x75: {  	s3 =	rddreg [dreg:$0x2];
	[bflag:$0x3] =	sbarrier.arrive $0xFFFF;
	s2 =	simm.s32 @!p0 $0x1C02  }
0x76: {  	[timem:s3], [sflag:s2] =	dma.local @!p0 [hbm:s0], s1  }
0x77: {  	s0 =	simm.s32 @!p0 $0x2  }
0x78: {  	_ =	swait.ge @!p0 [sflag:s0], s1  }
0x79: {  	s1 =	ssub.s32 @!p0 $0x0, s1;
	[sflag:s0] =	ssyncset.done @!p0 $0x0  }
0x7a: {  	[sflag:s0] =	ssyncadd.s32 @!p0 s1  }
0x7b: {  	[bflag:$0x3] =	sbarrier.arrive $0xFFFF  }
0x7c: {  	_ =	shalt  }

</sc_bundles>
